<compile_context>
chip_gen: v7x
topology: tpu7x:2x2x1
jax: 0.10.2.dev20260603
libtpu: 0.0.44.dev20260713+nightly
codegen_flags: <defaults>
</compile_context>

<pallas_src>
import functools

import jax
import jax.numpy as jnp
from jax import lax
from jax.experimental import pallas as pl
from jax.experimental.pallas import tpu as pltpu
from jax.experimental.pallas import tpu_sc as plsc

_S = 50
_BT = 16384
_D = 64
_V = 100000
_NC = 2
_NS = 16
_NW = _NC * _NS
_DPW = _D // _NW
_BC = 4096
_NBC = _BT // _BC
_NCHUNK = _S * _NBC
_L = 16
_UNROLL = 32


def _make_gather():
    mesh = plsc.VectorSubcoreMesh(core_axis_name="c", subcore_axis_name="s")

    @functools.partial(
        pl.kernel,
        mesh=mesh,
        out_type=jax.ShapeDtypeStruct((_S, _D, _BT), jnp.float32),
        scratch_types=[
            pltpu.VMEM((_V,), jnp.float32),
            pltpu.VMEM((_BC,), jnp.int32),
            pltpu.VMEM((_BC,), jnp.int32),
            pltpu.VMEM((_BC,), jnp.float32),
            pltpu.VMEM((_BC,), jnp.float32),
            pltpu.SemaphoreType.DMA((2,)),
            pltpu.SemaphoreType.DMA((2,)),
        ],
        compiler_params=pltpu.CompilerParams(
            use_tc_tiling_on_sc=True, needs_layout_passes=False
        ),
    )
    def gather_kernel(tid_hbm, tab_hbm, out_hbm,
                      row_v, idx0, idx1, outb0, outb1, isem, osem):
        wid = lax.axis_index("s") * _NC + lax.axis_index("c")
        idx_bufs = (idx0, idx1)
        out_bufs = (outb0, outb1)

        def idx_copy(c, p):
            s, bc = c // _NBC, c % _NBC
            return pltpu.make_async_copy(
                tid_hbm.at[s, pl.ds(bc * _BC, _BC)], idx_bufs[p], isem.at[p]
            )

        def out_copy(d, c, p):
            s, bc = c // _NBC, c % _NBC
            return pltpu.make_async_copy(
                out_bufs[p], out_hbm.at[s, d, pl.ds(bc * _BC, _BC)], osem.at[p]
            )

        for dd in range(_DPW):
            d = wid * _DPW + dd
            pltpu.sync_copy(tab_hbm.at[d], row_v)
            idx_copy(0, 0).start()
            idx_copy(1, 1).start()

            def chunk(c, p, first, last):
                ib, ob = idx_bufs[p], out_bufs[p]
                idx_copy(c, p).wait()

                @pl.when(jnp.logical_not(first))
                def _():
                    out_copy(d, c - 2, p).wait()

                @plsc.parallel_loop(0, _BC // _L, unroll=_UNROLL)
                def gather_body(j):
                    e = j * _L
                    iv = ib[pl.ds(e, _L)]
                    ob[pl.ds(e, _L)] = plsc.load_gather(row_v, [iv])
                out_copy(d, c, p).start()

                @pl.when(jnp.logical_not(last))
                def _():
                    idx_copy(c + 2, p).start()

            def group(g, carry):
                first = (dd == 0) & (g == 0)
                chunk(2 * g, 0, first, 2 * g == _NCHUNK - 2)
                chunk(2 * g + 1, 1, first, 2 * g + 1 == _NCHUNK - 1)
                return carry

            lax.fori_loop(0, _NCHUNK // 2, group, 0)

        d_last = wid * _DPW + _DPW - 1
        out_copy(d_last, _NCHUNK - 2, 0).wait()
        out_copy(d_last, _NCHUNK - 1, 1).wait()

    return gather_kernel


_gather = _make_gather()


def kernel(token_ids, embedding):
    out_t = _gather(token_ids.T, embedding.T)
    return out_t.transpose(2, 0, 1)

# --- scband reference (transcript-rebuilt; emitter-appended) ---
"""Pipeline reference for scband-sinusoid-embedding-35098472743593 (READ-ONLY COPY).

The authoritative reference and input builder live on the scoring server;
editing this copy changes nothing except your own understanding.
"""

import jax, jax.numpy as jnp
import numpy as np

NUM_TOKENS = 100000
DIM = 64


def make_sinusoid_table(num_tokens, dim, normalize=True):
    # position_angle_vec = 1 / 100 ** (2 * (arange(dim) // 2) / dim)
    position_angle_vec = 1.0 / jnp.power(100.0, 2.0 * (jnp.arange(dim) // 2).astype(jnp.float32) / dim)
    table = jnp.outer(jnp.arange(num_tokens, dtype=jnp.float32), position_angle_vec)
    table = table.at[:, 0::2].set(jnp.sin(table[:, 0::2]))
    table = table.at[:, 1::2].set(jnp.cos(table[:, 1::2]))
    if normalize:
        table = table - table.mean(axis=-1, keepdims=True)
        # torch .std() uses unbiased estimator (ddof=1)
        table = table / table.std(axis=-1, keepdims=True, ddof=1)
    return table.astype(jnp.float32)


def setup_inputs(seed: int = 0) -> dict:
    key = jax.random.key(seed)
    k1, _ = jax.random.split(key)
    token_ids = jax.random.randint(k1, (16384, 50), 0, NUM_TOKENS, dtype=jnp.int32)
    embedding = make_sinusoid_table(NUM_TOKENS, DIM, normalize=True)
    return {"token_ids": token_ids, "embedding": embedding}


def reference(token_ids, embedding):
    # forward: self.embedding[token_ids]
    return jnp.take(embedding, token_ids, axis=0)

if __name__ == "__main__":
    import jax
    _d = setup_inputs()
    print(jax.jit(kernel)(*tuple(_d.values())))

</pallas_src>

<mosaic_0001>
#map = affine_map<(d0, d1) -> (0, 0)>
#map1 = affine_map<(d0, d1) -> (0, 0, 0)>
module attributes {stable_mosaic.version = 14 : i64} {
  func.func @gather_kernel(%arg0: i32, %arg1: i32, %arg2: memref<50x16384xi32, #tpu.memory_space<hbm>>, %arg3: memref<64x100000xf32, #tpu.memory_space<hbm>>, %arg4: memref<50x64x16384xf32, #tpu.memory_space<hbm>>, %arg5: memref<100000xf32, #tpu.memory_space<vmem>>, %arg6: memref<4096xi32, #tpu.memory_space<vmem>>, %arg7: memref<4096xi32, #tpu.memory_space<vmem>>, %arg8: memref<4096xf32, #tpu.memory_space<vmem>>, %arg9: memref<4096xf32, #tpu.memory_space<vmem>>, %arg10: memref<2x!tpu.dma_semaphore, #tpu.memory_space<semaphore_mem>>, %arg11: memref<2x!tpu.dma_semaphore, #tpu.memory_space<semaphore_mem>>) attributes {dimension_semantics = [#tpu.dimension_semantics<core_parallel>, #tpu.dimension_semantics<subcore_parallel>], iteration_bounds = array<i64: 2, 16>, scalar_prefetch = 0 : i64, scratch_operands = 7 : i64, tpu.core_type = #tpu.core_type<sc_vector_subcore>, window_params = [{transform_indices = #map}, {transform_indices = #map}, {transform_indices = #map1}]} {
    %mul3A = arith.constant 2 : i32
    %mul3A_0 = arith.muli %arg1, %mul3A : i32
    %add3A = arith.addi %mul3A_0, %arg0 : i32
    %mul3A_1 = arith.constant 2 : i32
    %mul3A_2 = arith.muli %add3A, %mul3A_1 : i32
    %add3A_3 = arith.constant 0 : i32
    %add3A_4 = arith.addi %mul3A_2, %add3A_3 : i32
    "tpu.region"() ({
      %run_scoped3A = tpu.sem_alloc : memref<!tpu.dma_semaphore, #tpu.memory_space<semaphore_mem>>
      %dma_start3A_83 = arith.constant 0 : i32
      %dma_start3A_84 = tpu.memref_slice %arg3[%add3A_4, %dma_start3A_83] : memref<64x100000xf32, #tpu.memory_space<hbm>> -> memref<1x100000xf32, #tpu.memory_space<hbm>>
      %dma_start3A_85 = tpu.memref_squeeze %dma_start3A_84 : memref<1x100000xf32, #tpu.memory_space<hbm>> -> memref<100000xf32, #tpu.memory_space<hbm>>
      %dma_start3A_86 = arith.constant 0 : i32
      %dma_start3A_87 = tpu.memref_slice %arg3[%add3A_4, %dma_start3A_86] : memref<64x100000xf32, #tpu.memory_space<hbm>> -> memref<1x100000xf32, #tpu.memory_space<hbm>>
      %dma_start3A_88 = tpu.memref_squeeze %dma_start3A_87 : memref<1x100000xf32, #tpu.memory_space<hbm>> -> memref<100000xf32, #tpu.memory_space<hbm>>
      tpu.enqueue_dma source(%dma_start3A_88 : memref<100000xf32, #tpu.memory_space<hbm>>) target(%arg5 : memref<100000xf32, #tpu.memory_space<vmem>>) target_semaphore(%run_scoped3A : memref<!tpu.dma_semaphore, #tpu.memory_space<semaphore_mem>>)
      %dma_wait3A_89 = arith.constant 0 : i32
      %dma_wait3A_90 = tpu.memref_slice %arg3[%add3A_4, %dma_wait3A_89] : memref<64x100000xf32, #tpu.memory_space<hbm>> -> memref<1x100000xf32, #tpu.memory_space<hbm>>
      %dma_wait3A_91 = tpu.memref_squeeze %dma_wait3A_90 : memref<1x100000xf32, #tpu.memory_space<hbm>> -> memref<100000xf32, #tpu.memory_space<hbm>>
      %dma_wait3A_92 = arith.constant 0 : i32
      %dma_wait3A_93 = tpu.memref_slice %arg3[%add3A_4, %dma_wait3A_92] : memref<64x100000xf32, #tpu.memory_space<hbm>> -> memref<1x100000xf32, #tpu.memory_space<hbm>>
      %dma_wait3A_94 = tpu.memref_squeeze %dma_wait3A_93 : memref<1x100000xf32, #tpu.memory_space<hbm>> -> memref<100000xf32, #tpu.memory_space<hbm>>
      tpu.wait_dma2 semaphore(%run_scoped3A : memref<!tpu.dma_semaphore, #tpu.memory_space<semaphore_mem>>) src(%dma_wait3A_94 : memref<100000xf32, #tpu.memory_space<hbm>>) dst(%arg5 : memref<100000xf32, #tpu.memory_space<vmem>>)
      tpu.yield
    }) : () -> ()
    %dma_start3A = arith.constant 0 : i32
    %dma_start3A_5 = arith.constant 0 : i32
    %dma_start3A_6 = arith.constant 0 : i32
    %dma_start3A_7 = tpu.memref_slice %arg2[%dma_start3A, %dma_start3A_6] : memref<50x16384xi32, #tpu.memory_space<hbm>> -> memref<1x4096xi32, #tpu.memory_space<hbm>>
    %dma_start3A_8 = tpu.memref_squeeze %dma_start3A_7 : memref<1x4096xi32, #tpu.memory_space<hbm>> -> memref<4096xi32, #tpu.memory_space<hbm>>
    %dma_start3A_9 = tpu.memref_slice %arg10[%dma_start3A_5] : memref<2x!tpu.dma_semaphore, #tpu.memory_space<semaphore_mem>> -> memref<1x!tpu.dma_semaphore, #tpu.memory_space<semaphore_mem>>
    %dma_start3A_10 = tpu.memref_squeeze %dma_start3A_9 : memref<1x!tpu.dma_semaphore, #tpu.memory_space<semaphore_mem>> -> memref<!tpu.dma_semaphore, #tpu.memory_space<semaphore_mem>>
    %dma_start3A_11 = arith.constant 0 : i32
    %dma_start3A_12 = tpu.memref_slice %arg2[%dma_start3A, %dma_start3A_11] : memref<50x16384xi32, #tpu.memory_space<hbm>> -> memref<1x4096xi32, #tpu.memory_space<hbm>>
    %dma_start3A_13 = tpu.memref_squeeze %dma_start3A_12 : memref<1x4096xi32, #tpu.memory_space<hbm>> -> memref<4096xi32, #tpu.memory_space<hbm>>
    tpu.enqueue_dma source(%dma_start3A_13 : memref<4096xi32, #tpu.memory_space<hbm>>) target(%arg6 : memref<4096xi32, #tpu.memory_space<vmem>>) target_semaphore(%dma_start3A_10 : memref<!tpu.dma_semaphore, #tpu.memory_space<semaphore_mem>>)
    %dma_start3A_14 = arith.constant 0 : i32
    %dma_start3A_15 = arith.constant 1 : i32
    %dma_start3A_16 = arith.constant 4096 : i32
    %dma_start3A_17 = tpu.memref_slice %arg2[%dma_start3A_14, %dma_start3A_16] : memref<50x16384xi32, #tpu.memory_space<hbm>> -> memref<1x4096xi32, #tpu.memory_space<hbm>>
    %dma_start3A_18 = tpu.memref_squeeze %dma_start3A_17 : memref<1x4096xi32, #tpu.memory_space<hbm>> -> memref<4096xi32, #tpu.memory_space<hbm>>
    %dma_start3A_19 = tpu.memref_slice %arg10[%dma_start3A_15] : memref<2x!tpu.dma_semaphore, #tpu.memory_space<semaphore_mem>> -> memref<1x!tpu.dma_semaphore, #tpu.memory_space<semaphore_mem>>
    %dma_start3A_20 = tpu.memref_squeeze %dma_start3A_19 : memref<1x!tpu.dma_semaphore, #tpu.memory_space<semaphore_mem>> -> memref<!tpu.dma_semaphore, #tpu.memory_space<semaphore_mem>>
    %dma_start3A_21 = arith.constant 4096 : i32
    %dma_start3A_22 = tpu.memref_slice %arg2[%dma_start3A_14, %dma_start3A_21] : memref<50x16384xi32, #tpu.memory_space<hbm>> -> memref<1x4096xi32, #tpu.memory_space<hbm>>
    %dma_start3A_23 = tpu.memref_squeeze %dma_start3A_22 : memref<1x4096xi32, #tpu.memory_space<hbm>> -> memref<4096xi32, #tpu.memory_space<hbm>>
    tpu.enqueue_dma source(%dma_start3A_23 : memref<4096xi32, #tpu.memory_space<hbm>>) target(%arg7 : memref<4096xi32, #tpu.memory_space<vmem>>) target_semaphore(%dma_start3A_20 : memref<!tpu.dma_semaphore, #tpu.memory_space<semaphore_mem>>)
    %scan3A = arith.constant 0 : i32
    %scan3A_24 = arith.constant 0 : i32
    %scan3A_25 = arith.constant 100 : i32
    %scan3A_26 = arith.addi %scan3A_24, %scan3A_25 : i32
    %scan3A_27 = arith.constant 1 : i32
    scf.for %scan3A_83 = %scan3A_24 to %scan3A_26 step %scan3A_27  : i32 {
      %eq3A = arith.constant 0 : i32
      %eq3A_84 = arith.cmpi eq, %scan3A_83, %eq3A : i32
      %and3A = arith.constant true
      %and3A_85 = arith.andi %and3A, %eq3A_84 : i1
      %mul3A_86 = arith.constant 2 : i32
      %mul3A_87 = arith.muli %mul3A_86, %scan3A_83 : i32
      %mul3A_88 = arith.constant 2 : i32
      %mul3A_89 = arith.muli %mul3A_88, %scan3A_83 : i32
      %eq3A_90 = arith.constant 198 : i32
      %eq3A_91 = arith.cmpi eq, %mul3A_89, %eq3A_90 : i32
      %jit3A = arith.constant 4 : i32
      %div3A = arith.divsi %mul3A_87, %jit3A : i32
      %sign3A = arith.constant 0 : i32
      %sign3A_92 = arith.cmpi sgt, %mul3A_87, %sign3A : i32
      %sign3A_93 = arith.extui %sign3A_92 : i1 to i32
      %sign3A_94 = arith.constant 0 : i32
      %sign3A_95 = arith.cmpi slt, %mul3A_87, %sign3A_94 : i32
      %sign3A_96 = arith.extui %sign3A_95 : i1 to i32
      %sign3A_97 = arith.subi %sign3A_93, %sign3A_96 : i32
      %sign3A_98 = arith.constant 0 : i32
      %sign3A_99 = arith.cmpi sgt, %jit3A, %sign3A_98 : i32
      %sign3A_100 = arith.extui %sign3A_99 : i1 to i32
      %sign3A_101 = arith.constant 0 : i32
      %sign3A_102 = arith.cmpi slt, %jit3A, %sign3A_101 : i32
      %sign3A_103 = arith.extui %sign3A_102 : i1 to i32
      %sign3A_104 = arith.subi %sign3A_100, %sign3A_103 : i32
      %ne3A = arith.cmpi ne, %sign3A_97, %sign3A_104 : i32
      %rem3A = arith.remsi %mul3A_87, %jit3A : i32
      %ne3A_105 = arith.constant 0 : i32
      %ne3A_106 = arith.cmpi ne, %rem3A, %ne3A_105 : i32
      %and3A_107 = arith.andi %ne3A, %ne3A_106 : i1
      %sub3A_108 = arith.constant 1 : i32
      %sub3A_109 = arith.subi %div3A, %sub3A_108 : i32
      %select_n3A = arith.select %and3A_107, %sub3A_109, %div3A : i32
      %jit3A_110 = arith.constant 4 : i32
      %eq3A_111 = arith.constant 0 : i32
      %eq3A_112 = arith.cmpi eq, %jit3A_110, %eq3A_111 : i32
      %jit3A_113 = arith.constant 1 : i32
      %select_n3A_114 = arith.select %eq3A_112, %jit3A_113, %jit3A_110 : i32
      %rem3A_115 = arith.remsi %mul3A_87, %select_n3A_114 : i32
      %ne3A_116 = arith.constant 0 : i32
      %ne3A_117 = arith.cmpi ne, %rem3A_115, %ne3A_116 : i32
      %lt3A = arith.constant 0 : i32
      %lt3A_118 = arith.cmpi slt, %rem3A_115, %lt3A : i32
      %lt3A_119 = arith.constant 0 : i32
      %lt3A_120 = arith.cmpi slt, %select_n3A_114, %lt3A_119 : i32
      %ne3A_121 = arith.xori %lt3A_118, %lt3A_120 : i1
      %and3A_122 = arith.andi %ne3A_121, %ne3A_117 : i1
      %add3A_123 = arith.addi %rem3A_115, %select_n3A_114 : i32
      %select_n3A_124 = arith.select %and3A_122, %add3A_123, %rem3A_115 : i32
      %mul3A_125 = arith.constant 4096 : i32
      %mul3A_126 = arith.muli %select_n3A_124, %mul3A_125 : i32
      %dma_wait3A_127 = arith.constant 0 : i32
      %dma_wait3A_128 = tpu.memref_slice %arg2[%select_n3A, %mul3A_126] : memref<50x16384xi32, #tpu.memory_space<hbm>> -> memref<1x4096xi32, #tpu.memory_space<hbm>>
      %dma_wait3A_129 = tpu.memref_squeeze %dma_wait3A_128 : memref<1x4096xi32, #tpu.memory_space<hbm>> -> memref<4096xi32, #tpu.memory_space<hbm>>
      %dma_wait3A_130 = tpu.memref_slice %arg10[%dma_wait3A_127] : memref<2x!tpu.dma_semaphore, #tpu.memory_space<semaphore_mem>> -> memref<1x!tpu.dma_semaphore, #tpu.memory_space<semaphore_mem>>
      %dma_wait3A_131 = tpu.memref_squeeze %dma_wait3A_130 : memref<1x!tpu.dma_semaphore, #tpu.memory_space<semaphore_mem>> -> memref<!tpu.dma_semaphore, #tpu.memory_space<semaphore_mem>>
      %dma_wait3A_132 = tpu.memref_slice %arg2[%select_n3A, %mul3A_126] : memref<50x16384xi32, #tpu.memory_space<hbm>> -> memref<1x4096xi32, #tpu.memory_space<hbm>>
      %dma_wait3A_133 = tpu.memref_squeeze %dma_wait3A_132 : memref<1x4096xi32, #tpu.memory_space<hbm>> -> memref<4096xi32, #tpu.memory_space<hbm>>
      tpu.wait_dma2 semaphore(%dma_wait3A_131 : memref<!tpu.dma_semaphore, #tpu.memory_space<semaphore_mem>>) src(%dma_wait3A_133 : memref<4096xi32, #tpu.memory_space<hbm>>) dst(%arg6 : memref<4096xi32, #tpu.memory_space<vmem>>)
      %not3A = arith.constant true
      %not3A_134 = arith.xori %and3A_85, %not3A : i1
      %convert_element_type3A = arith.extui %not3A_134 : i1 to i32
      %cond3A = arith.constant 0 : i32
      %cond3A_135 = arith.cmpi ne, %convert_element_type3A, %cond3A : i32
      scf.if %cond3A_135 {
        %sub3A_313 = arith.constant 2 : i32
        %sub3A_314 = arith.subi %mul3A_87, %sub3A_313 : i32
        %jit3A_315 = arith.constant 4 : i32
        %div3A_316 = arith.divsi %sub3A_314, %jit3A_315 : i32
        %sign3A_317 = arith.constant 0 : i32
        %sign3A_318 = arith.cmpi sgt, %sub3A_314, %sign3A_317 : i32
        %sign3A_319 = arith.extui %sign3A_318 : i1 to i32
        %sign3A_320 = arith.constant 0 : i32
        %sign3A_321 = arith.cmpi slt, %sub3A_314, %sign3A_320 : i32
        %sign3A_322 = arith.extui %sign3A_321 : i1 to i32
        %sign3A_323 = arith.subi %sign3A_319, %sign3A_322 : i32
        %sign3A_324 = arith.constant 0 : i32
        %sign3A_325 = arith.cmpi sgt, %jit3A_315, %sign3A_324 : i32
        %sign3A_326 = arith.extui %sign3A_325 : i1 to i32
        %sign3A_327 = arith.constant 0 : i32
        %sign3A_328 = arith.cmpi slt, %jit3A_315, %sign3A_327 : i32
        %sign3A_329 = arith.extui %sign3A_328 : i1 to i32
        %sign3A_330 = arith.subi %sign3A_326, %sign3A_329 : i32
        %ne3A_331 = arith.cmpi ne, %sign3A_323, %sign3A_330 : i32
        %rem3A_332 = arith.remsi %sub3A_314, %jit3A_315 : i32
        %ne3A_333 = arith.constant 0 : i32
        %ne3A_334 = arith.cmpi ne, %rem3A_332, %ne3A_333 : i32
        %and3A_335 = arith.andi %ne3A_331, %ne3A_334 : i1
        %sub3A_336 = arith.constant 1 : i32
        %sub3A_337 = arith.subi %div3A_316, %sub3A_336 : i32
        %select_n3A_338 = arith.select %and3A_335, %sub3A_337, %div3A_316 : i32
        %jit3A_339 = arith.constant 4 : i32
        %eq3A_340 = arith.constant 0 : i32
        %eq3A_341 = arith.cmpi eq, %jit3A_339, %eq3A_340 : i32
        %jit3A_342 = arith.constant 1 : i32
        %select_n3A_343 = arith.select %eq3A_341, %jit3A_342, %jit3A_339 : i32
        %rem3A_344 = arith.remsi %sub3A_314, %select_n3A_343 : i32
        %ne3A_345 = arith.constant 0 : i32
        %ne3A_346 = arith.cmpi ne, %rem3A_344, %ne3A_345 : i32
        %lt3A_347 = arith.constant 0 : i32
        %lt3A_348 = arith.cmpi slt, %rem3A_344, %lt3A_347 : i32
        %lt3A_349 = arith.constant 0 : i32
        %lt3A_350 = arith.cmpi slt, %select_n3A_343, %lt3A_349 : i32
        %ne3A_351 = arith.xori %lt3A_348, %lt3A_350 : i1
        %and3A_352 = arith.andi %ne3A_351, %ne3A_346 : i1
        %add3A_353 = arith.addi %rem3A_344, %select_n3A_343 : i32
        %select_n3A_354 = arith.select %and3A_352, %add3A_353, %rem3A_344 : i32
        %mul3A_355 = arith.constant 4096 : i32
        %mul3A_356 = arith.muli %select_n3A_354, %mul3A_355 : i32
        %dma_wait3A_357 = arith.constant 0 : i32
        %dma_wait3A_358 = tpu.memref_slice %arg4[%select_n3A_338, %add3A_4, %mul3A_356] : memref<50x64x16384xf32, #tpu.memory_space<hbm>> -> memref<1x1x4096xf32, #tpu.memory_space<hbm>>
        %dma_wait3A_359 = tpu.memref_squeeze %dma_wait3A_358 : memref<1x1x4096xf32, #tpu.memory_space<hbm>> -> memref<4096xf32, #tpu.memory_space<hbm>>
        %dma_wait3A_360 = tpu.memref_slice %arg11[%dma_wait3A_357] : memref<2x!tpu.dma_semaphore, #tpu.memory_space<semaphore_mem>> -> memref<1x!tpu.dma_semaphore, #tpu.memory_space<semaphore_mem>>
        %dma_wait3A_361 = tpu.memref_squeeze %dma_wait3A_360 : memref<1x!tpu.dma_semaphore, #tpu.memory_space<semaphore_mem>> -> memref<!tpu.dma_semaphore, #tpu.memory_space<semaphore_mem>>
        %dma_wait3A_362 = tpu.memref_slice %arg4[%select_n3A_338, %add3A_4, %mul3A_356] : memref<50x64x16384xf32, #tpu.memory_space<hbm>> -> memref<1x1x4096xf32, #tpu.memory_space<hbm>>
        %dma_wait3A_363 = tpu.memref_squeeze %dma_wait3A_362 : memref<1x1x4096xf32, #tpu.memory_space<hbm>> -> memref<4096xf32, #tpu.memory_space<hbm>>
        tpu.wait_dma2 semaphore(%dma_wait3A_361 : memref<!tpu.dma_semaphore, #tpu.memory_space<semaphore_mem>>) src(%arg8 : memref<4096xf32, #tpu.memory_space<vmem>>) dst(%dma_wait3A_363 : memref<4096xf32, #tpu.memory_space<hbm>>)
      } else {
      }
      %parallel_loop3A = arith.constant 0 : i32
      %parallel_loop3A_136 = arith.constant 256 : i32
      %parallel_loop3A_137 = arith.constant 1 : i32
      scf.for %parallel_loop3A_313 = %parallel_loop3A to %parallel_loop3A_136 step %parallel_loop3A_137  : i32 {
        %parallel_loop3A_314 = arith.constant 16 : i32
        %parallel_loop3A_315 = arith.muli %parallel_loop3A_313, %parallel_loop3A_314 : i32
        %parallel_loop3A_316 = arith.index_cast %parallel_loop3A_315 : i32 to index
        %parallel_loop3A_317 = tpu.vector_load %arg6[%parallel_loop3A_316] {strides = array<i32>} : memref<4096xi32, #tpu.memory_space<vmem>>, vector<16xi32>,
        %parallel_loop3A_318 = tpu.vector_load_idx %arg5[%parallel_loop3A_317] : memref<100000xf32, #tpu.memory_space<vmem>>[vector<16xi32>], vector<16xf32>,
        %parallel_loop3A_319 = arith.index_cast %parallel_loop3A_315 : i32 to index
        %parallel_loop3A_320 = tpu.vector_load %arg8[%parallel_loop3A_319] {strides = array<i32>} : memref<4096xf32, #tpu.memory_space<vmem>>, vector<16xf32>,
        tpu.vector_store %arg8[%parallel_loop3A_319], %parallel_loop3A_318 {strides = array<i32>} : memref<4096xf32, #tpu.memory_space<vmem>>, vector<16xf32>,
      } {sc.loop_unroll_factor = 32 : i64, sc.parallel_access}
      %jit3A_138 = arith.constant 4 : i32
      %div3A_139 = arith.divsi %mul3A_87, %jit3A_138 : i32
      %sign3A_140 = arith.constant 0 : i32
      %sign3A_141 = arith.cmpi sgt, %mul3A_87, %sign3A_140 : i32
      %sign3A_142 = arith.extui %sign3A_141 : i1 to i32
      %sign3A_143 = arith.constant 0 : i32
      %sign3A_144 = arith.cmpi slt, %mul3A_87, %sign3A_143 : i32
      %sign3A_145 = arith.extui %sign3A_144 : i1 to i32
      %sign3A_146 = arith.subi %sign3A_142, %sign3A_145 : i32
      %sign3A_147 = arith.constant 0 : i32
      %sign3A_148 = arith.cmpi sgt, %jit3A_138, %sign3A_147 : i32
      %sign3A_149 = arith.extui %sign3A_148 : i1 to i32
      %sign3A_150 = arith.constant 0 : i32
      %sign3A_151 = arith.cmpi slt, %jit3A_138, %sign3A_150 : i32
      %sign3A_152 = arith.extui %sign3A_151 : i1 to i32
      %sign3A_153 = arith.subi %sign3A_149, %sign3A_152 : i32
      %ne3A_154 = arith.cmpi ne, %sign3A_146, %sign3A_153 : i32
      %rem3A_155 = arith.remsi %mul3A_87, %jit3A_138 : i32
      %ne3A_156 = arith.constant 0 : i32
      %ne3A_157 = arith.cmpi ne, %rem3A_155, %ne3A_156 : i32
      %and3A_158 = arith.andi %ne3A_154, %ne3A_157 : i1
      %sub3A_159 = arith.constant 1 : i32
      %sub3A_160 = arith.subi %div3A_139, %sub3A_159 : i32
      %select_n3A_161 = arith.select %and3A_158, %sub3A_160, %div3A_139 : i32
      %jit3A_162 = arith.constant 4 : i32
      %eq3A_163 = arith.constant 0 : i32
      %eq3A_164 = arith.cmpi eq, %jit3A_162, %eq3A_163 : i32
      %jit3A_165 = arith.constant 1 : i32
      %select_n3A_166 = arith.select %eq3A_164, %jit3A_165, %jit3A_162 : i32
      %rem3A_167 = arith.remsi %mul3A_87, %select_n3A_166 : i32
      %ne3A_168 = arith.constant 0 : i32
      %ne3A_169 = arith.cmpi ne, %rem3A_167, %ne3A_168 : i32
      %lt3A_170 = arith.constant 0 : i32
      %lt3A_171 = arith.cmpi slt, %rem3A_167, %lt3A_170 : i32
      %lt3A_172 = arith.constant 0 : i32
      %lt3A_173 = arith.cmpi slt, %select_n3A_166, %lt3A_172 : i32
      %ne3A_174 = arith.xori %lt3A_171, %lt3A_173 : i1
      %and3A_175 = arith.andi %ne3A_174, %ne3A_169 : i1
      %add3A_176 = arith.addi %rem3A_167, %select_n3A_166 : i32
      %select_n3A_177 = arith.select %and3A_175, %add3A_176, %rem3A_167 : i32
      %mul3A_178 = arith.constant 4096 : i32
      %mul3A_179 = arith.muli %select_n3A_177, %mul3A_178 : i32
      %dma_start3A_180 = arith.constant 0 : i32
      %dma_start3A_181 = tpu.memref_slice %arg4[%select_n3A_161, %add3A_4, %mul3A_179] : memref<50x64x16384xf32, #tpu.memory_space<hbm>> -> memref<1x1x4096xf32, #tpu.memory_space<hbm>>
      %dma_start3A_182 = tpu.memref_squeeze %dma_start3A_181 : memref<1x1x4096xf32, #tpu.memory_space<hbm>> -> memref<4096xf32, #tpu.memory_space<hbm>>
      %dma_start3A_183 = tpu.memref_slice %arg11[%dma_start3A_180] : memref<2x!tpu.dma_semaphore, #tpu.memory_space<semaphore_mem>> -> memref<1x!tpu.dma_semaphore, #tpu.memory_space<semaphore_mem>>
      %dma_start3A_184 = tpu.memref_squeeze %dma_start3A_183 : memref<1x!tpu.dma_semaphore, #tpu.memory_space<semaphore_mem>> -> memref<!tpu.dma_semaphore, #tpu.memory_space<semaphore_mem>>
      %dma_start3A_185 = tpu.memref_slice %arg4[%select_n3A_161, %add3A_4, %mul3A_179] : memref<50x64x16384xf32, #tpu.memory_space<hbm>> -> memref<1x1x4096xf32, #tpu.memory_space<hbm>>
      %dma_start3A_186 = tpu.memref_squeeze %dma_start3A_185 : memref<1x1x4096xf32, #tpu.memory_space<hbm>> -> memref<4096xf32, #tpu.memory_space<hbm>>
      tpu.enqueue_dma source(%arg8 : memref<4096xf32, #tpu.memory_space<vmem>>) target(%dma_start3A_186 : memref<4096xf32, #tpu.memory_space<hbm>>) target_semaphore(%dma_start3A_184 : memref<!tpu.dma_semaphore, #tpu.memory_space<semaphore_mem>>)
      %not3A_187 = arith.constant true
      %not3A_188 = arith.xori %eq3A_91, %not3A_187 : i1
      %convert_element_type3A_189 = arith.extui %not3A_188 : i1 to i32
      %cond3A_190 = arith.constant 0 : i32
      %cond3A_191 = arith.cmpi ne, %convert_element_type3A_189, %cond3A_190 : i32
      scf.if %cond3A_191 {
        %add3A_313 = arith.constant 2 : i32
        %add3A_314 = arith.addi %mul3A_87, %add3A_313 : i32
        %jit3A_315 = arith.constant 4 : i32
        %div3A_316 = arith.divsi %add3A_314, %jit3A_315 : i32
        %sign3A_317 = arith.constant 0 : i32
        %sign3A_318 = arith.cmpi sgt, %add3A_314, %sign3A_317 : i32
        %sign3A_319 = arith.extui %sign3A_318 : i1 to i32
        %sign3A_320 = arith.constant 0 : i32
        %sign3A_321 = arith.cmpi slt, %add3A_314, %sign3A_320 : i32
        %sign3A_322 = arith.extui %sign3A_321 : i1 to i32
        %sign3A_323 = arith.subi %sign3A_319, %sign3A_322 : i32
        %sign3A_324 = arith.constant 0 : i32
        %sign3A_325 = arith.cmpi sgt, %jit3A_315, %sign3A_324 : i32
        %sign3A_326 = arith.extui %sign3A_325 : i1 to i32
        %sign3A_327 = arith.constant 0 : i32
        %sign3A_328 = arith.cmpi slt, %jit3A_315, %sign3A_327 : i32
        %sign3A_329 = arith.extui %sign3A_328 : i1 to i32
        %sign3A_330 = arith.subi %sign3A_326, %sign3A_329 : i32
        %ne3A_331 = arith.cmpi ne, %sign3A_323, %sign3A_330 : i32
        %rem3A_332 = arith.remsi %add3A_314, %jit3A_315 : i32
        %ne3A_333 = arith.constant 0 : i32
        %ne3A_334 = arith.cmpi ne, %rem3A_332, %ne3A_333 : i32
        %and3A_335 = arith.andi %ne3A_331, %ne3A_334 : i1
        %sub3A_336 = arith.constant 1 : i32
        %sub3A_337 = arith.subi %div3A_316, %sub3A_336 : i32
        %select_n3A_338 = arith.select %and3A_335, %sub3A_337, %div3A_316 : i32
        %jit3A_339 = arith.constant 4 : i32
        %eq3A_340 = arith.constant 0 : i32
        %eq3A_341 = arith.cmpi eq, %jit3A_339, %eq3A_340 : i32
        %jit3A_342 = arith.constant 1 : i32
        %select_n3A_343 = arith.select %eq3A_341, %jit3A_342, %jit3A_339 : i32
        %rem3A_344 = arith.remsi %add3A_314, %select_n3A_343 : i32
        %ne3A_345 = arith.constant 0 : i32
        %ne3A_346 = arith.cmpi ne, %rem3A_344, %ne3A_345 : i32
        %lt3A_347 = arith.constant 0 : i32
        %lt3A_348 = arith.cmpi slt, %rem3A_344, %lt3A_347 : i32
        %lt3A_349 = arith.constant 0 : i32
        %lt3A_350 = arith.cmpi slt, %select_n3A_343, %lt3A_349 : i32
        %ne3A_351 = arith.xori %lt3A_348, %lt3A_350 : i1
        %and3A_352 = arith.andi %ne3A_351, %ne3A_346 : i1
        %add3A_353 = arith.addi %rem3A_344, %select_n3A_343 : i32
        %select_n3A_354 = arith.select %and3A_352, %add3A_353, %rem3A_344 : i32
        %mul3A_355 = arith.constant 4096 : i32
        %mul3A_356 = arith.muli %select_n3A_354, %mul3A_355 : i32
        %dma_start3A_357 = arith.constant 0 : i32
        %dma_start3A_358 = tpu.memref_slice %arg2[%select_n3A_338, %mul3A_356] : memref<50x16384xi32, #tpu.memory_space<hbm>> -> memref<1x4096xi32, #tpu.memory_space<hbm>>
        %dma_start3A_359 = tpu.memref_squeeze %dma_start3A_358 : memref<1x4096xi32, #tpu.memory_space<hbm>> -> memref<4096xi32, #tpu.memory_space<hbm>>
        %dma_start3A_360 = tpu.memref_slice %arg10[%dma_start3A_357] : memref<2x!tpu.dma_semaphore, #tpu.memory_space<semaphore_mem>> -> memref<1x!tpu.dma_semaphore, #tpu.memory_space<semaphore_mem>>
        %dma_start3A_361 = tpu.memref_squeeze %dma_start3A_360 : memref<1x!tpu.dma_semaphore, #tpu.memory_space<semaphore_mem>> -> memref<!tpu.dma_semaphore, #tpu.memory_space<semaphore_mem>>
        %dma_start3A_362 = tpu.memref_slice %arg2[%select_n3A_338, %mul3A_356] : memref<50x16384xi32, #tpu.memory_space<hbm>> -> memref<1x4096xi32, #tpu.memory_space<hbm>>
        %dma_start3A_363 = tpu.memref_squeeze %dma_start3A_362 : memref<1x4096xi32, #tpu.memory_space<hbm>> -> memref<4096xi32, #tpu.memory_space<hbm>>
        tpu.enqueue_dma source(%dma_start3A_363 : memref<4096xi32, #tpu.memory_space<hbm>>) target(%arg6 : memref<4096xi32, #tpu.memory_space<vmem>>) target_semaphore(%dma_start3A_361 : memref<!tpu.dma_semaphore, #tpu.memory_space<semaphore_mem>>)
      } else {
      }
      %mul3A_192 = arith.constant 2 : i32
      %mul3A_193 = arith.muli %mul3A_192, %scan3A_83 : i32
      %add3A_194 = arith.constant 1 : i32
      %add3A_195 = arith.addi %mul3A_193, %add3A_194 : i32
      %mul3A_196 = arith.constant 2 : i32
      %mul3A_197 = arith.muli %mul3A_196, %scan3A_83 : i32
      %add3A_198 = arith.constant 1 : i32
      %add3A_199 = arith.addi %mul3A_197, %add3A_198 : i32
      %eq3A_200 = arith.constant 199 : i32
      %eq3A_201 = arith.cmpi eq, %add3A_199, %eq3A_200 : i32
      %jit3A_202 = arith.constant 4 : i32
      %div3A_203 = arith.divsi %add3A_195, %jit3A_202 : i32
      %sign3A_204 = arith.constant 0 : i32
      %sign3A_205 = arith.cmpi sgt, %add3A_195, %sign3A_204 : i32
      %sign3A_206 = arith.extui %sign3A_205 : i1 to i32
      %sign3A_207 = arith.constant 0 : i32
      %sign3A_208 = arith.cmpi slt, %add3A_195, %sign3A_207 : i32
      %sign3A_209 = arith.extui %sign3A_208 : i1 to i32
      %sign3A_210 = arith.subi %sign3A_206, %sign3A_209 : i32
      %sign3A_211 = arith.constant 0 : i32
      %sign3A_212 = arith.cmpi sgt, %jit3A_202, %sign3A_211 : i32
      %sign3A_213 = arith.extui %sign3A_212 : i1 to i32
      %sign3A_214 = arith.constant 0 : i32
      %sign3A_215 = arith.cmpi slt, %jit3A_202, %sign3A_214 : i32
      %sign3A_216 = arith.extui %sign3A_215 : i1 to i32
      %sign3A_217 = arith.subi %sign3A_213, %sign3A_216 : i32
      %ne3A_218 = arith.cmpi ne, %sign3A_210, %sign3A_217 : i32
      %rem3A_219 = arith.remsi %add3A_195, %jit3A_202 : i32
      %ne3A_220 = arith.constant 0 : i32
      %ne3A_221 = arith.cmpi ne, %rem3A_219, %ne3A_220 : i32
      %and3A_222 = arith.andi %ne3A_218, %ne3A_221 : i1
      %sub3A_223 = arith.constant 1 : i32
      %sub3A_224 = arith.subi %div3A_203, %sub3A_223 : i32
      %select_n3A_225 = arith.select %and3A_222, %sub3A_224, %div3A_203 : i32
      %jit3A_226 = arith.constant 4 : i32
      %eq3A_227 = arith.constant 0 : i32
      %eq3A_228 = arith.cmpi eq, %jit3A_226, %eq3A_227 : i32
      %jit3A_229 = arith.constant 1 : i32
      %select_n3A_230 = arith.select %eq3A_228, %jit3A_229, %jit3A_226 : i32
      %rem3A_231 = arith.remsi %add3A_195, %select_n3A_230 : i32
      %ne3A_232 = arith.constant 0 : i32
      %ne3A_233 = arith.cmpi ne, %rem3A_231, %ne3A_232 : i32
      %lt3A_234 = arith.constant 0 : i32
      %lt3A_235 = arith.cmpi slt, %rem3A_231, %lt3A_234 : i32
      %lt3A_236 = arith.constant 0 : i32
      %lt3A_237 = arith.cmpi slt, %select_n3A_230, %lt3A_236 : i32
      %ne3A_238 = arith.xori %lt3A_235, %lt3A_237 : i1
      %and3A_239 = arith.andi %ne3A_238, %ne3A_233 : i1
      %add3A_240 = arith.addi %rem3A_231, %select_n3A_230 : i32
      %select_n3A_241 = arith.select %and3A_239, %add3A_240, %rem3A_231 : i32
      %mul3A_242 = arith.constant 4096 : i32
      %mul3A_243 = arith.muli %select_n3A_241, %mul3A_242 : i32
      %dma_wait3A_244 = arith.constant 1 : i32
      %dma_wait3A_245 = tpu.memref_slice %arg2[%select_n3A_225, %mul3A_243] : memref<50x16384xi32, #tpu.memory_space<hbm>> -> memref<1x4096xi32, #tpu.memory_space<hbm>>
      %dma_wait3A_246 = tpu.memref_squeeze %dma_wait3A_245 : memref<1x4096xi32, #tpu.memory_space<hbm>> -> memref<4096xi32, #tpu.memory_space<hbm>>
      %dma_wait3A_247 = tpu.memref_slice %arg10[%dma_wait3A_244] : memref<2x!tpu.dma_semaphore, #tpu.memory_space<semaphore_mem>> -> memref<1x!tpu.dma_semaphore, #tpu.memory_space<semaphore_mem>>
      %dma_wait3A_248 = tpu.memref_squeeze %dma_wait3A_247 : memref<1x!tpu.dma_semaphore, #tpu.memory_space<semaphore_mem>> -> memref<!tpu.dma_semaphore, #tpu.memory_space<semaphore_mem>>
      %dma_wait3A_249 = tpu.memref_slice %arg2[%select_n3A_225, %mul3A_243] : memref<50x16384xi32, #tpu.memory_space<hbm>> -> memref<1x4096xi32, #tpu.memory_space<hbm>>
      %dma_wait3A_250 = tpu.memref_squeeze %dma_wait3A_249 : memref<1x4096xi32, #tpu.memory_space<hbm>> -> memref<4096xi32, #tpu.memory_space<hbm>>
      tpu.wait_dma2 semaphore(%dma_wait3A_248 : memref<!tpu.dma_semaphore, #tpu.memory_space<semaphore_mem>>) src(%dma_wait3A_250 : memref<4096xi32, #tpu.memory_space<hbm>>) dst(%arg7 : memref<4096xi32, #tpu.memory_space<vmem>>)
      %not3A_251 = arith.constant true
      %not3A_252 = arith.xori %and3A_85, %not3A_251 : i1
      %convert_element_type3A_253 = arith.extui %not3A_252 : i1 to i32
      %cond3A_254 = arith.constant 0 : i32
      %cond3A_255 = arith.cmpi ne, %convert_element_type3A_253, %cond3A_254 : i32
      scf.if %cond3A_255 {
        %sub3A_313 = arith.constant 2 : i32
        %sub3A_314 = arith.subi %add3A_195, %sub3A_313 : i32
        %jit3A_315 = arith.constant 4 : i32
        %div3A_316 = arith.divsi %sub3A_314, %jit3A_315 : i32
        %sign3A_317 = arith.constant 0 : i32
        %sign3A_318 = arith.cmpi sgt, %sub3A_314, %sign3A_317 : i32
        %sign3A_319 = arith.extui %sign3A_318 : i1 to i32
        %sign3A_320 = arith.constant 0 : i32
        %sign3A_321 = arith.cmpi slt, %sub3A_314, %sign3A_320 : i32
        %sign3A_322 = arith.extui %sign3A_321 : i1 to i32
        %sign3A_323 = arith.subi %sign3A_319, %sign3A_322 : i32
        %sign3A_324 = arith.constant 0 : i32
        %sign3A_325 = arith.cmpi sgt, %jit3A_315, %sign3A_324 : i32
        %sign3A_326 = arith.extui %sign3A_325 : i1 to i32
        %sign3A_327 = arith.constant 0 : i32
        %sign3A_328 = arith.cmpi slt, %jit3A_315, %sign3A_327 : i32
        %sign3A_329 = arith.extui %sign3A_328 : i1 to i32
        %sign3A_330 = arith.subi %sign3A_326, %sign3A_329 : i32
        %ne3A_331 = arith.cmpi ne, %sign3A_323, %sign3A_330 : i32
        %rem3A_332 = arith.remsi %sub3A_314, %jit3A_315 : i32
        %ne3A_333 = arith.constant 0 : i32
        %ne3A_334 = arith.cmpi ne, %rem3A_332, %ne3A_333 : i32
        %and3A_335 = arith.andi %ne3A_331, %ne3A_334 : i1
        %sub3A_336 = arith.constant 1 : i32
        %sub3A_337 = arith.subi %div3A_316, %sub3A_336 : i32
        %select_n3A_338 = arith.select %and3A_335, %sub3A_337, %div3A_316 : i32
        %jit3A_339 = arith.constant 4 : i32
        %eq3A_340 = arith.constant 0 : i32
        %eq3A_341 = arith.cmpi eq, %jit3A_339, %eq3A_340 : i32
        %jit3A_342 = arith.constant 1 : i32
        %select_n3A_343 = arith.select %eq3A_341, %jit3A_342, %jit3A_339 : i32
        %rem3A_344 = arith.remsi %sub3A_314, %select_n3A_343 : i32
        %ne3A_345 = arith.constant 0 : i32
        %ne3A_346 = arith.cmpi ne, %rem3A_344, %ne3A_345 : i32
        %lt3A_347 = arith.constant 0 : i32
        %lt3A_348 = arith.cmpi slt, %rem3A_344, %lt3A_347 : i32
        %lt3A_349 = arith.constant 0 : i32
        %lt3A_350 = arith.cmpi slt, %select_n3A_343, %lt3A_349 : i32
        %ne3A_351 = arith.xori %lt3A_348, %lt3A_350 : i1
        %and3A_352 = arith.andi %ne3A_351, %ne3A_346 : i1
        %add3A_353 = arith.addi %rem3A_344, %select_n3A_343 : i32
        %select_n3A_354 = arith.select %and3A_352, %add3A_353, %rem3A_344 : i32
        %mul3A_355 = arith.constant 4096 : i32
        %mul3A_356 = arith.muli %select_n3A_354, %mul3A_355 : i32
        %dma_wait3A_357 = arith.constant 1 : i32
        %dma_wait3A_358 = tpu.memref_slice %arg4[%select_n3A_338, %add3A_4, %mul3A_356] : memref<50x64x16384xf32, #tpu.memory_space<hbm>> -> memref<1x1x4096xf32, #tpu.memory_space<hbm>>
        %dma_wait3A_359 = tpu.memref_squeeze %dma_wait3A_358 : memref<1x1x4096xf32, #tpu.memory_space<hbm>> -> memref<4096xf32, #tpu.memory_space<hbm>>
        %dma_wait3A_360 = tpu.memref_slice %arg11[%dma_wait3A_357] : memref<2x!tpu.dma_semaphore, #tpu.memory_space<semaphore_mem>> -> memref<1x!tpu.dma_semaphore, #tpu.memory_space<semaphore_mem>>
        %dma_wait3A_361 = tpu.memref_squeeze %dma_wait3A_360 : memref<1x!tpu.dma_semaphore, #tpu.memory_space<semaphore_mem>> -> memref<!tpu.dma_semaphore, #tpu.memory_space<semaphore_mem>>
        %dma_wait3A_362 = tpu.memref_slice %arg4[%select_n3A_338, %add3A_4, %mul3A_356] : memref<50x64x16384xf32, #tpu.memory_space<hbm>> -> memref<1x1x4096xf32, #tpu.memory_space<hbm>>
        %dma_wait3A_363 = tpu.memref_squeeze %dma_wait3A_362 : memref<1x1x4096xf32, #tpu.memory_space<hbm>> -> memref<4096xf32, #tpu.memory_space<hbm>>
        tpu.wait_dma2 semaphore(%dma_wait3A_361 : memref<!tpu.dma_semaphore, #tpu.memory_space<semaphore_mem>>) src(%arg9 : memref<4096xf32, #tpu.memory_space<vmem>>) dst(%dma_wait3A_363 : memref<4096xf32, #tpu.memory_space<hbm>>)
      } else {
      }
      %parallel_loop3A_256 = arith.constant 0 : i32
      %parallel_loop3A_257 = arith.constant 256 : i32
      %parallel_loop3A_258 = arith.constant 1 : i32
      scf.for %parallel_loop3A_313 = %parallel_loop3A_256 to %parallel_loop3A_257 step %parallel_loop3A_258  : i32 {
        %parallel_loop3A_314 = arith.constant 16 : i32
        %parallel_loop3A_315 = arith.muli %parallel_loop3A_313, %parallel_loop3A_314 : i32
        %parallel_loop3A_316 = arith.index_cast %parallel_loop3A_315 : i32 to index
        %parallel_loop3A_317 = tpu.vector_load %arg7[%parallel_loop3A_316] {strides = array<i32>} : memref<4096xi32, #tpu.memory_space<vmem>>, vector<16xi32>,
        %parallel_loop3A_318 = tpu.vector_load_idx %arg5[%parallel_loop3A_317] : memref<100000xf32, #tpu.memory_space<vmem>>[vector<16xi32>], vector<16xf32>,
        %parallel_loop3A_319 = arith.index_cast %parallel_loop3A_315 : i32 to index
        %parallel_loop3A_320 = tpu.vector_load %arg9[%parallel_loop3A_319] {strides = array<i32>} : memref<4096xf32, #tpu.memory_space<vmem>>, vector<16xf32>,
        tpu.vector_store %arg9[%parallel_loop3A_319], %parallel_loop3A_318 {strides = array<i32>} : memref<4096xf32, #tpu.memory_space<vmem>>, vector<16xf32>,
      } {sc.loop_unroll_factor = 32 : i64, sc.parallel_access}
      %jit3A_259 = arith.constant 4 : i32
      %div3A_260 = arith.divsi %add3A_195, %jit3A_259 : i32
      %sign3A_261 = arith.constant 0 : i32
      %sign3A_262 = arith.cmpi sgt, %add3A_195, %sign3A_261 : i32
      %sign3A_263 = arith.extui %sign3A_262 : i1 to i32
      %sign3A_264 = arith.constant 0 : i32
      %sign3A_265 = arith.cmpi slt, %add3A_195, %sign3A_264 : i32
      %sign3A_266 = arith.extui %sign3A_265 : i1 to i32
      %sign3A_267 = arith.subi %sign3A_263, %sign3A_266 : i32
      %sign3A_268 = arith.constant 0 : i32
      %sign3A_269 = arith.cmpi sgt, %jit3A_259, %sign3A_268 : i32
      %sign3A_270 = arith.extui %sign3A_269 : i1 to i32
      %sign3A_271 = arith.constant 0 : i32
      %sign3A_272 = arith.cmpi slt, %jit3A_259, %sign3A_271 : i32
      %sign3A_273 = arith.extui %sign3A_272 : i1 to i32
      %sign3A_274 = arith.subi %sign3A_270, %sign3A_273 : i32
      %ne3A_275 = arith.cmpi ne, %sign3A_267, %sign3A_274 : i32
      %rem3A_276 = arith.remsi %add3A_195, %jit3A_259 : i32
      %ne3A_277 = arith.constant 0 : i32
      %ne3A_278 = arith.cmpi ne, %rem3A_276, %ne3A_277 : i32
      %and3A_279 = arith.andi %ne3A_275, %ne3A_278 : i1
      %sub3A_280 = arith.constant 1 : i32
      %sub3A_281 = arith.subi %div3A_260, %sub3A_280 : i32
      %select_n3A_282 = arith.select %and3A_279, %sub3A_281, %div3A_260 : i32
      %jit3A_283 = arith.constant 4 : i32
      %eq3A_284 = arith.constant 0 : i32
      %eq3A_285 = arith.cmpi eq, %jit3A_283, %eq3A_284 : i32
      %jit3A_286 = arith.constant 1 : i32
      %select_n3A_287 = arith.select %eq3A_285, %jit3A_286, %jit3A_283 : i32
      %rem3A_288 = arith.remsi %add3A_195, %select_n3A_287 : i32
      %ne3A_289 = arith.constant 0 : i32
      %ne3A_290 = arith.cmpi ne, %rem3A_288, %ne3A_289 : i32
      %lt3A_291 = arith.constant 0 : i32
      %lt3A_292 = arith.cmpi slt, %rem3A_288, %lt3A_291 : i32
      %lt3A_293 = arith.constant 0 : i32
      %lt3A_294 = arith.cmpi slt, %select_n3A_287, %lt3A_293 : i32
      %ne3A_295 = arith.xori %lt3A_292, %lt3A_294 : i1
      %and3A_296 = arith.andi %ne3A_295, %ne3A_290 : i1
      %add3A_297 = arith.addi %rem3A_288, %select_n3A_287 : i32
      %select_n3A_298 = arith.select %and3A_296, %add3A_297, %rem3A_288 : i32
      %mul3A_299 = arith.constant 4096 : i32
      %mul3A_300 = arith.muli %select_n3A_298, %mul3A_299 : i32
      %dma_start3A_301 = arith.constant 1 : i32
      %dma_start3A_302 = tpu.memref_slice %arg4[%select_n3A_282, %add3A_4, %mul3A_300] : memref<50x64x16384xf32, #tpu.memory_space<hbm>> -> memref<1x1x4096xf32, #tpu.memory_space<hbm>>
      %dma_start3A_303 = tpu.memref_squeeze %dma_start3A_302 : memref<1x1x4096xf32, #tpu.memory_space<hbm>> -> memref<4096xf32, #tpu.memory_space<hbm>>
      %dma_start3A_304 = tpu.memref_slice %arg11[%dma_start3A_301] : memref<2x!tpu.dma_semaphore, #tpu.memory_space<semaphore_mem>> -> memref<1x!tpu.dma_semaphore, #tpu.memory_space<semaphore_mem>>
      %dma_start3A_305 = tpu.memref_squeeze %dma_start3A_304 : memref<1x!tpu.dma_semaphore, #tpu.memory_space<semaphore_mem>> -> memref<!tpu.dma_semaphore, #tpu.memory_space<semaphore_mem>>
      %dma_start3A_306 = tpu.memref_slice %arg4[%select_n3A_282, %add3A_4, %mul3A_300] : memref<50x64x16384xf32, #tpu.memory_space<hbm>> -> memref<1x1x4096xf32, #tpu.memory_space<hbm>>
      %dma_start3A_307 = tpu.memref_squeeze %dma_start3A_306 : memref<1x1x4096xf32, #tpu.memory_space<hbm>> -> memref<4096xf32, #tpu.memory_space<hbm>>
      tpu.enqueue_dma source(%arg9 : memref<4096xf32, #tpu.memory_space<vmem>>) target(%dma_start3A_307 : memref<4096xf32, #tpu.memory_space<hbm>>) target_semaphore(%dma_start3A_305 : memref<!tpu.dma_semaphore, #tpu.memory_space<semaphore_mem>>)
      %not3A_308 = arith.constant true
      %not3A_309 = arith.xori %eq3A_201, %not3A_308 : i1
      %convert_element_type3A_310 = arith.extui %not3A_309 : i1 to i32
      %cond3A_311 = arith.constant 0 : i32
      %cond3A_312 = arith.cmpi ne, %convert_element_type3A_310, %cond3A_311 : i32
      scf.if %cond3A_312 {
        %add3A_313 = arith.constant 2 : i32
        %add3A_314 = arith.addi %add3A_195, %add3A_313 : i32
        %jit3A_315 = arith.constant 4 : i32
        %div3A_316 = arith.divsi %add3A_314, %jit3A_315 : i32
        %sign3A_317 = arith.constant 0 : i32
        %sign3A_318 = arith.cmpi sgt, %add3A_314, %sign3A_317 : i32
        %sign3A_319 = arith.extui %sign3A_318 : i1 to i32
        %sign3A_320 = arith.constant 0 : i32
        %sign3A_321 = arith.cmpi slt, %add3A_314, %sign3A_320 : i32
        %sign3A_322 = arith.extui %sign3A_321 : i1 to i32
        %sign3A_323 = arith.subi %sign3A_319, %sign3A_322 : i32
        %sign3A_324 = arith.constant 0 : i32
        %sign3A_325 = arith.cmpi sgt, %jit3A_315, %sign3A_324 : i32
        %sign3A_326 = arith.extui %sign3A_325 : i1 to i32
        %sign3A_327 = arith.constant 0 : i32
        %sign3A_328 = arith.cmpi slt, %jit3A_315, %sign3A_327 : i32
        %sign3A_329 = arith.extui %sign3A_328 : i1 to i32
        %sign3A_330 = arith.subi %sign3A_326, %sign3A_329 : i32
        %ne3A_331 = arith.cmpi ne, %sign3A_323, %sign3A_330 : i32
        %rem3A_332 = arith.remsi %add3A_314, %jit3A_315 : i32
        %ne3A_333 = arith.constant 0 : i32
        %ne3A_334 = arith.cmpi ne, %rem3A_332, %ne3A_333 : i32
        %and3A_335 = arith.andi %ne3A_331, %ne3A_334 : i1
        %sub3A_336 = arith.constant 1 : i32
        %sub3A_337 = arith.subi %div3A_316, %sub3A_336 : i32
        %select_n3A_338 = arith.select %and3A_335, %sub3A_337, %div3A_316 : i32
        %jit3A_339 = arith.constant 4 : i32
        %eq3A_340 = arith.constant 0 : i32
        %eq3A_341 = arith.cmpi eq, %jit3A_339, %eq3A_340 : i32
        %jit3A_342 = arith.constant 1 : i32
        %select_n3A_343 = arith.select %eq3A_341, %jit3A_342, %jit3A_339 : i32
        %rem3A_344 = arith.remsi %add3A_314, %select_n3A_343 : i32
        %ne3A_345 = arith.constant 0 : i32
        %ne3A_346 = arith.cmpi ne, %rem3A_344, %ne3A_345 : i32
        %lt3A_347 = arith.constant 0 : i32
        %lt3A_348 = arith.cmpi slt, %rem3A_344, %lt3A_347 : i32
        %lt3A_349 = arith.constant 0 : i32
        %lt3A_350 = arith.cmpi slt, %select_n3A_343, %lt3A_349 : i32
        %ne3A_351 = arith.xori %lt3A_348, %lt3A_350 : i1
        %and3A_352 = arith.andi %ne3A_351, %ne3A_346 : i1
        %add3A_353 = arith.addi %rem3A_344, %select_n3A_343 : i32
        %select_n3A_354 = arith.select %and3A_352, %add3A_353, %rem3A_344 : i32
        %mul3A_355 = arith.constant 4096 : i32
        %mul3A_356 = arith.muli %select_n3A_354, %mul3A_355 : i32
        %dma_start3A_357 = arith.constant 1 : i32
        %dma_start3A_358 = tpu.memref_slice %arg2[%select_n3A_338, %mul3A_356] : memref<50x16384xi32, #tpu.memory_space<hbm>> -> memref<1x4096xi32, #tpu.memory_space<hbm>>
        %dma_start3A_359 = tpu.memref_squeeze %dma_start3A_358 : memref<1x4096xi32, #tpu.memory_space<hbm>> -> memref<4096xi32, #tpu.memory_space<hbm>>
        %dma_start3A_360 = tpu.memref_slice %arg10[%dma_start3A_357] : memref<2x!tpu.dma_semaphore, #tpu.memory_space<semaphore_mem>> -> memref<1x!tpu.dma_semaphore, #tpu.memory_space<semaphore_mem>>
        %dma_start3A_361 = tpu.memref_squeeze %dma_start3A_360 : memref<1x!tpu.dma_semaphore, #tpu.memory_space<semaphore_mem>> -> memref<!tpu.dma_semaphore, #tpu.memory_space<semaphore_mem>>
        %dma_start3A_362 = tpu.memref_slice %arg2[%select_n3A_338, %mul3A_356] : memref<50x16384xi32, #tpu.memory_space<hbm>> -> memref<1x4096xi32, #tpu.memory_space<hbm>>
        %dma_start3A_363 = tpu.memref_squeeze %dma_start3A_362 : memref<1x4096xi32, #tpu.memory_space<hbm>> -> memref<4096xi32, #tpu.memory_space<hbm>>
        tpu.enqueue_dma source(%dma_start3A_363 : memref<4096xi32, #tpu.memory_space<hbm>>) target(%arg7 : memref<4096xi32, #tpu.memory_space<vmem>>) target_semaphore(%dma_start3A_361 : memref<!tpu.dma_semaphore, #tpu.memory_space<semaphore_mem>>)
      } else {
      }
    }
    %scan3A_28 = arith.constant 100 : i32
    %mul3A_29 = arith.constant 2 : i32
    %mul3A_30 = arith.muli %add3A, %mul3A_29 : i32
    %add3A_31 = arith.constant 1 : i32
    %add3A_32 = arith.addi %mul3A_30, %add3A_31 : i32
    "tpu.region"() ({
      %run_scoped3A = tpu.sem_alloc : memref<!tpu.dma_semaphore, #tpu.memory_space<semaphore_mem>>
      %dma_start3A_83 = arith.constant 0 : i32
      %dma_start3A_84 = tpu.memref_slice %arg3[%add3A_32, %dma_start3A_83] : memref<64x100000xf32, #tpu.memory_space<hbm>> -> memref<1x100000xf32, #tpu.memory_space<hbm>>
      %dma_start3A_85 = tpu.memref_squeeze %dma_start3A_84 : memref<1x100000xf32, #tpu.memory_space<hbm>> -> memref<100000xf32, #tpu.memory_space<hbm>>
      %dma_start3A_86 = arith.constant 0 : i32
      %dma_start3A_87 = tpu.memref_slice %arg3[%add3A_32, %dma_start3A_86] : memref<64x100000xf32, #tpu.memory_space<hbm>> -> memref<1x100000xf32, #tpu.memory_space<hbm>>
      %dma_start3A_88 = tpu.memref_squeeze %dma_start3A_87 : memref<1x100000xf32, #tpu.memory_space<hbm>> -> memref<100000xf32, #tpu.memory_space<hbm>>
      tpu.enqueue_dma source(%dma_start3A_88 : memref<100000xf32, #tpu.memory_space<hbm>>) target(%arg5 : memref<100000xf32, #tpu.memory_space<vmem>>) target_semaphore(%run_scoped3A : memref<!tpu.dma_semaphore, #tpu.memory_space<semaphore_mem>>)
      %dma_wait3A_89 = arith.constant 0 : i32
      %dma_wait3A_90 = tpu.memref_slice %arg3[%add3A_32, %dma_wait3A_89] : memref<64x100000xf32, #tpu.memory_space<hbm>> -> memref<1x100000xf32, #tpu.memory_space<hbm>>
      %dma_wait3A_91 = tpu.memref_squeeze %dma_wait3A_90 : memref<1x100000xf32, #tpu.memory_space<hbm>> -> memref<100000xf32, #tpu.memory_space<hbm>>
      %dma_wait3A_92 = arith.constant 0 : i32
      %dma_wait3A_93 = tpu.memref_slice %arg3[%add3A_32, %dma_wait3A_92] : memref<64x100000xf32, #tpu.memory_space<hbm>> -> memref<1x100000xf32, #tpu.memory_space<hbm>>
      %dma_wait3A_94 = tpu.memref_squeeze %dma_wait3A_93 : memref<1x100000xf32, #tpu.memory_space<hbm>> -> memref<100000xf32, #tpu.memory_space<hbm>>
      tpu.wait_dma2 semaphore(%run_scoped3A : memref<!tpu.dma_semaphore, #tpu.memory_space<semaphore_mem>>) src(%dma_wait3A_94 : memref<100000xf32, #tpu.memory_space<hbm>>) dst(%arg5 : memref<100000xf32, #tpu.memory_space<vmem>>)
      tpu.yield
    }) : () -> ()
    %dma_start3A_33 = arith.constant 0 : i32
    %dma_start3A_34 = arith.constant 0 : i32
    %dma_start3A_35 = arith.constant 0 : i32
    %dma_start3A_36 = tpu.memref_slice %arg2[%dma_start3A_33, %dma_start3A_35] : memref<50x16384xi32, #tpu.memory_space<hbm>> -> memref<1x4096xi32, #tpu.memory_space<hbm>>
    %dma_start3A_37 = tpu.memref_squeeze %dma_start3A_36 : memref<1x4096xi32, #tpu.memory_space<hbm>> -> memref<4096xi32, #tpu.memory_space<hbm>>
    %dma_start3A_38 = tpu.memref_slice %arg10[%dma_start3A_34] : memref<2x!tpu.dma_semaphore, #tpu.memory_space<semaphore_mem>> -> memref<1x!tpu.dma_semaphore, #tpu.memory_space<semaphore_mem>>
    %dma_start3A_39 = tpu.memref_squeeze %dma_start3A_38 : memref<1x!tpu.dma_semaphore, #tpu.memory_space<semaphore_mem>> -> memref<!tpu.dma_semaphore, #tpu.memory_space<semaphore_mem>>
    %dma_start3A_40 = arith.constant 0 : i32
    %dma_start3A_41 = tpu.memref_slice %arg2[%dma_start3A_33, %dma_start3A_40] : memref<50x16384xi32, #tpu.memory_space<hbm>> -> memref<1x4096xi32, #tpu.memory_space<hbm>>
    %dma_start3A_42 = tpu.memref_squeeze %dma_start3A_41 : memref<1x4096xi32, #tpu.memory_space<hbm>> -> memref<4096xi32, #tpu.memory_space<hbm>>
    tpu.enqueue_dma source(%dma_start3A_42 : memref<4096xi32, #tpu.memory_space<hbm>>) target(%arg6 : memref<4096xi32, #tpu.memory_space<vmem>>) target_semaphore(%dma_start3A_39 : memref<!tpu.dma_semaphore, #tpu.memory_space<semaphore_mem>>)
    %dma_start3A_43 = arith.constant 0 : i32
    %dma_start3A_44 = arith.constant 1 : i32
    %dma_start3A_45 = arith.constant 4096 : i32
    %dma_start3A_46 = tpu.memref_slice %arg2[%dma_start3A_43, %dma_start3A_45] : memref<50x16384xi32, #tpu.memory_space<hbm>> -> memref<1x4096xi32, #tpu.memory_space<hbm>>
    %dma_start3A_47 = tpu.memref_squeeze %dma_start3A_46 : memref<1x4096xi32, #tpu.memory_space<hbm>> -> memref<4096xi32, #tpu.memory_space<hbm>>
    %dma_start3A_48 = tpu.memref_slice %arg10[%dma_start3A_44] : memref<2x!tpu.dma_semaphore, #tpu.memory_space<semaphore_mem>> -> memref<1x!tpu.dma_semaphore, #tpu.memory_space<semaphore_mem>>
    %dma_start3A_49 = tpu.memref_squeeze %dma_start3A_48 : memref<1x!tpu.dma_semaphore, #tpu.memory_space<semaphore_mem>> -> memref<!tpu.dma_semaphore, #tpu.memory_space<semaphore_mem>>
    %dma_start3A_50 = arith.constant 4096 : i32
    %dma_start3A_51 = tpu.memref_slice %arg2[%dma_start3A_43, %dma_start3A_50] : memref<50x16384xi32, #tpu.memory_space<hbm>> -> memref<1x4096xi32, #tpu.memory_space<hbm>>
    %dma_start3A_52 = tpu.memref_squeeze %dma_start3A_51 : memref<1x4096xi32, #tpu.memory_space<hbm>> -> memref<4096xi32, #tpu.memory_space<hbm>>
    tpu.enqueue_dma source(%dma_start3A_52 : memref<4096xi32, #tpu.memory_space<hbm>>) target(%arg7 : memref<4096xi32, #tpu.memory_space<vmem>>) target_semaphore(%dma_start3A_49 : memref<!tpu.dma_semaphore, #tpu.memory_space<semaphore_mem>>)
    %scan3A_53 = arith.constant 0 : i32
    %scan3A_54 = arith.constant 0 : i32
    %scan3A_55 = arith.constant 100 : i32
    %scan3A_56 = arith.addi %scan3A_54, %scan3A_55 : i32
    %scan3A_57 = arith.constant 1 : i32
    scf.for %scan3A_83 = %scan3A_54 to %scan3A_56 step %scan3A_57  : i32 {
      %eq3A = arith.constant 0 : i32
      %eq3A_84 = arith.cmpi eq, %scan3A_83, %eq3A : i32
      %and3A = arith.constant false
      %and3A_85 = arith.andi %and3A, %eq3A_84 : i1
      %mul3A_86 = arith.constant 2 : i32
      %mul3A_87 = arith.muli %mul3A_86, %scan3A_83 : i32
      %mul3A_88 = arith.constant 2 : i32
      %mul3A_89 = arith.muli %mul3A_88, %scan3A_83 : i32
      %eq3A_90 = arith.constant 198 : i32
      %eq3A_91 = arith.cmpi eq, %mul3A_89, %eq3A_90 : i32
      %jit3A = arith.constant 4 : i32
      %div3A = arith.divsi %mul3A_87, %jit3A : i32
      %sign3A = arith.constant 0 : i32
      %sign3A_92 = arith.cmpi sgt, %mul3A_87, %sign3A : i32
      %sign3A_93 = arith.extui %sign3A_92 : i1 to i32
      %sign3A_94 = arith.constant 0 : i32
      %sign3A_95 = arith.cmpi slt, %mul3A_87, %sign3A_94 : i32
      %sign3A_96 = arith.extui %sign3A_95 : i1 to i32
      %sign3A_97 = arith.subi %sign3A_93, %sign3A_96 : i32
      %sign3A_98 = arith.constant 0 : i32
      %sign3A_99 = arith.cmpi sgt, %jit3A, %sign3A_98 : i32
      %sign3A_100 = arith.extui %sign3A_99 : i1 to i32
      %sign3A_101 = arith.constant 0 : i32
      %sign3A_102 = arith.cmpi slt, %jit3A, %sign3A_101 : i32
      %sign3A_103 = arith.extui %sign3A_102 : i1 to i32
      %sign3A_104 = arith.subi %sign3A_100, %sign3A_103 : i32
      %ne3A = arith.cmpi ne, %sign3A_97, %sign3A_104 : i32
      %rem3A = arith.remsi %mul3A_87, %jit3A : i32
      %ne3A_105 = arith.constant 0 : i32
      %ne3A_106 = arith.cmpi ne, %rem3A, %ne3A_105 : i32
      %and3A_107 = arith.andi %ne3A, %ne3A_106 : i1
      %sub3A_108 = arith.constant 1 : i32
      %sub3A_109 = arith.subi %div3A, %sub3A_108 : i32
      %select_n3A = arith.select %and3A_107, %sub3A_109, %div3A : i32
      %jit3A_110 = arith.constant 4 : i32
      %eq3A_111 = arith.constant 0 : i32
      %eq3A_112 = arith.cmpi eq, %jit3A_110, %eq3A_111 : i32
      %jit3A_113 = arith.constant 1 : i32
      %select_n3A_114 = arith.select %eq3A_112, %jit3A_113, %jit3A_110 : i32
      %rem3A_115 = arith.remsi %mul3A_87, %select_n3A_114 : i32
      %ne3A_116 = arith.constant 0 : i32
      %ne3A_117 = arith.cmpi ne, %rem3A_115, %ne3A_116 : i32
      %lt3A = arith.constant 0 : i32
      %lt3A_118 = arith.cmpi slt, %rem3A_115, %lt3A : i32
      %lt3A_119 = arith.constant 0 : i32
      %lt3A_120 = arith.cmpi slt, %select_n3A_114, %lt3A_119 : i32
      %ne3A_121 = arith.xori %lt3A_118, %lt3A_120 : i1
      %and3A_122 = arith.andi %ne3A_121, %ne3A_117 : i1
      %add3A_123 = arith.addi %rem3A_115, %select_n3A_114 : i32
      %select_n3A_124 = arith.select %and3A_122, %add3A_123, %rem3A_115 : i32
      %mul3A_125 = arith.constant 4096 : i32
      %mul3A_126 = arith.muli %select_n3A_124, %mul3A_125 : i32
      %dma_wait3A_127 = arith.constant 0 : i32
      %dma_wait3A_128 = tpu.memref_slice %arg2[%select_n3A, %mul3A_126] : memref<50x16384xi32, #tpu.memory_space<hbm>> -> memref<1x4096xi32, #tpu.memory_space<hbm>>
      %dma_wait3A_129 = tpu.memref_squeeze %dma_wait3A_128 : memref<1x4096xi32, #tpu.memory_space<hbm>> -> memref<4096xi32, #tpu.memory_space<hbm>>
      %dma_wait3A_130 = tpu.memref_slice %arg10[%dma_wait3A_127] : memref<2x!tpu.dma_semaphore, #tpu.memory_space<semaphore_mem>> -> memref<1x!tpu.dma_semaphore, #tpu.memory_space<semaphore_mem>>
      %dma_wait3A_131 = tpu.memref_squeeze %dma_wait3A_130 : memref<1x!tpu.dma_semaphore, #tpu.memory_space<semaphore_mem>> -> memref<!tpu.dma_semaphore, #tpu.memory_space<semaphore_mem>>
      %dma_wait3A_132 = tpu.memref_slice %arg2[%select_n3A, %mul3A_126] : memref<50x16384xi32, #tpu.memory_space<hbm>> -> memref<1x4096xi32, #tpu.memory_space<hbm>>
      %dma_wait3A_133 = tpu.memref_squeeze %dma_wait3A_132 : memref<1x4096xi32, #tpu.memory_space<hbm>> -> memref<4096xi32, #tpu.memory_space<hbm>>
      tpu.wait_dma2 semaphore(%dma_wait3A_131 : memref<!tpu.dma_semaphore, #tpu.memory_space<semaphore_mem>>) src(%dma_wait3A_133 : memref<4096xi32, #tpu.memory_space<hbm>>) dst(%arg6 : memref<4096xi32, #tpu.memory_space<vmem>>)
      %not3A = arith.constant true
      %not3A_134 = arith.xori %and3A_85, %not3A : i1
      %convert_element_type3A = arith.extui %not3A_134 : i1 to i32
      %cond3A = arith.constant 0 : i32
      %cond3A_135 = arith.cmpi ne, %convert_element_type3A, %cond3A : i32
      scf.if %cond3A_135 {
        %sub3A_313 = arith.constant 2 : i32
        %sub3A_314 = arith.subi %mul3A_87, %sub3A_313 : i32
        %jit3A_315 = arith.constant 4 : i32
        %div3A_316 = arith.divsi %sub3A_314, %jit3A_315 : i32
        %sign3A_317 = arith.constant 0 : i32
        %sign3A_318 = arith.cmpi sgt, %sub3A_314, %sign3A_317 : i32
        %sign3A_319 = arith.extui %sign3A_318 : i1 to i32
        %sign3A_320 = arith.constant 0 : i32
        %sign3A_321 = arith.cmpi slt, %sub3A_314, %sign3A_320 : i32
        %sign3A_322 = arith.extui %sign3A_321 : i1 to i32
        %sign3A_323 = arith.subi %sign3A_319, %sign3A_322 : i32
        %sign3A_324 = arith.constant 0 : i32
        %sign3A_325 = arith.cmpi sgt, %jit3A_315, %sign3A_324 : i32
        %sign3A_326 = arith.extui %sign3A_325 : i1 to i32
        %sign3A_327 = arith.constant 0 : i32
        %sign3A_328 = arith.cmpi slt, %jit3A_315, %sign3A_327 : i32
        %sign3A_329 = arith.extui %sign3A_328 : i1 to i32
        %sign3A_330 = arith.subi %sign3A_326, %sign3A_329 : i32
        %ne3A_331 = arith.cmpi ne, %sign3A_323, %sign3A_330 : i32
        %rem3A_332 = arith.remsi %sub3A_314, %jit3A_315 : i32
        %ne3A_333 = arith.constant 0 : i32
        %ne3A_334 = arith.cmpi ne, %rem3A_332, %ne3A_333 : i32
        %and3A_335 = arith.andi %ne3A_331, %ne3A_334 : i1
        %sub3A_336 = arith.constant 1 : i32
        %sub3A_337 = arith.subi %div3A_316, %sub3A_336 : i32
        %select_n3A_338 = arith.select %and3A_335, %sub3A_337, %div3A_316 : i32
        %jit3A_339 = arith.constant 4 : i32
        %eq3A_340 = arith.constant 0 : i32
        %eq3A_341 = arith.cmpi eq, %jit3A_339, %eq3A_340 : i32
        %jit3A_342 = arith.constant 1 : i32
        %select_n3A_343 = arith.select %eq3A_341, %jit3A_342, %jit3A_339 : i32
        %rem3A_344 = arith.remsi %sub3A_314, %select_n3A_343 : i32
        %ne3A_345 = arith.constant 0 : i32
        %ne3A_346 = arith.cmpi ne, %rem3A_344, %ne3A_345 : i32
        %lt3A_347 = arith.constant 0 : i32
        %lt3A_348 = arith.cmpi slt, %rem3A_344, %lt3A_347 : i32
        %lt3A_349 = arith.constant 0 : i32
        %lt3A_350 = arith.cmpi slt, %select_n3A_343, %lt3A_349 : i32
        %ne3A_351 = arith.xori %lt3A_348, %lt3A_350 : i1
        %and3A_352 = arith.andi %ne3A_351, %ne3A_346 : i1
        %add3A_353 = arith.addi %rem3A_344, %select_n3A_343 : i32
        %select_n3A_354 = arith.select %and3A_352, %add3A_353, %rem3A_344 : i32
        %mul3A_355 = arith.constant 4096 : i32
        %mul3A_356 = arith.muli %select_n3A_354, %mul3A_355 : i32
        %dma_wait3A_357 = arith.constant 0 : i32
        %dma_wait3A_358 = tpu.memref_slice %arg4[%select_n3A_338, %add3A_32, %mul3A_356] : memref<50x64x16384xf32, #tpu.memory_space<hbm>> -> memref<1x1x4096xf32, #tpu.memory_space<hbm>>
        %dma_wait3A_359 = tpu.memref_squeeze %dma_wait3A_358 : memref<1x1x4096xf32, #tpu.memory_space<hbm>> -> memref<4096xf32, #tpu.memory_space<hbm>>
        %dma_wait3A_360 = tpu.memref_slice %arg11[%dma_wait3A_357] : memref<2x!tpu.dma_semaphore, #tpu.memory_space<semaphore_mem>> -> memref<1x!tpu.dma_semaphore, #tpu.memory_space<semaphore_mem>>
        %dma_wait3A_361 = tpu.memref_squeeze %dma_wait3A_360 : memref<1x!tpu.dma_semaphore, #tpu.memory_space<semaphore_mem>> -> memref<!tpu.dma_semaphore, #tpu.memory_space<semaphore_mem>>
        %dma_wait3A_362 = tpu.memref_slice %arg4[%select_n3A_338, %add3A_32, %mul3A_356] : memref<50x64x16384xf32, #tpu.memory_space<hbm>> -> memref<1x1x4096xf32, #tpu.memory_space<hbm>>
        %dma_wait3A_363 = tpu.memref_squeeze %dma_wait3A_362 : memref<1x1x4096xf32, #tpu.memory_space<hbm>> -> memref<4096xf32, #tpu.memory_space<hbm>>
        tpu.wait_dma2 semaphore(%dma_wait3A_361 : memref<!tpu.dma_semaphore, #tpu.memory_space<semaphore_mem>>) src(%arg8 : memref<4096xf32, #tpu.memory_space<vmem>>) dst(%dma_wait3A_363 : memref<4096xf32, #tpu.memory_space<hbm>>)
      } else {
      }
      %parallel_loop3A = arith.constant 0 : i32
      %parallel_loop3A_136 = arith.constant 256 : i32
      %parallel_loop3A_137 = arith.constant 1 : i32
      scf.for %parallel_loop3A_313 = %parallel_loop3A to %parallel_loop3A_136 step %parallel_loop3A_137  : i32 {
        %parallel_loop3A_314 = arith.constant 16 : i32
        %parallel_loop3A_315 = arith.muli %parallel_loop3A_313, %parallel_loop3A_314 : i32
        %parallel_loop3A_316 = arith.index_cast %parallel_loop3A_315 : i32 to index
        %parallel_loop3A_317 = tpu.vector_load %arg6[%parallel_loop3A_316] {strides = array<i32>} : memref<4096xi32, #tpu.memory_space<vmem>>, vector<16xi32>,
        %parallel_loop3A_318 = tpu.vector_load_idx %arg5[%parallel_loop3A_317] : memref<100000xf32, #tpu.memory_space<vmem>>[vector<16xi32>], vector<16xf32>,
        %parallel_loop3A_319 = arith.index_cast %parallel_loop3A_315 : i32 to index
        %parallel_loop3A_320 = tpu.vector_load %arg8[%parallel_loop3A_319] {strides = array<i32>} : memref<4096xf32, #tpu.memory_space<vmem>>, vector<16xf32>,
        tpu.vector_store %arg8[%parallel_loop3A_319], %parallel_loop3A_318 {strides = array<i32>} : memref<4096xf32, #tpu.memory_space<vmem>>, vector<16xf32>,
      } {sc.loop_unroll_factor = 32 : i64, sc.parallel_access}
      %jit3A_138 = arith.constant 4 : i32
      %div3A_139 = arith.divsi %mul3A_87, %jit3A_138 : i32
      %sign3A_140 = arith.constant 0 : i32
      %sign3A_141 = arith.cmpi sgt, %mul3A_87, %sign3A_140 : i32
      %sign3A_142 = arith.extui %sign3A_141 : i1 to i32
      %sign3A_143 = arith.constant 0 : i32
      %sign3A_144 = arith.cmpi slt, %mul3A_87, %sign3A_143 : i32
      %sign3A_145 = arith.extui %sign3A_144 : i1 to i32
      %sign3A_146 = arith.subi %sign3A_142, %sign3A_145 : i32
      %sign3A_147 = arith.constant 0 : i32
      %sign3A_148 = arith.cmpi sgt, %jit3A_138, %sign3A_147 : i32
      %sign3A_149 = arith.extui %sign3A_148 : i1 to i32
      %sign3A_150 = arith.constant 0 : i32
      %sign3A_151 = arith.cmpi slt, %jit3A_138, %sign3A_150 : i32
      %sign3A_152 = arith.extui %sign3A_151 : i1 to i32
      %sign3A_153 = arith.subi %sign3A_149, %sign3A_152 : i32
      %ne3A_154 = arith.cmpi ne, %sign3A_146, %sign3A_153 : i32
      %rem3A_155 = arith.remsi %mul3A_87, %jit3A_138 : i32
      %ne3A_156 = arith.constant 0 : i32
      %ne3A_157 = arith.cmpi ne, %rem3A_155, %ne3A_156 : i32
      %and3A_158 = arith.andi %ne3A_154, %ne3A_157 : i1
      %sub3A_159 = arith.constant 1 : i32
      %sub3A_160 = arith.subi %div3A_139, %sub3A_159 : i32
      %select_n3A_161 = arith.select %and3A_158, %sub3A_160, %div3A_139 : i32
      %jit3A_162 = arith.constant 4 : i32
      %eq3A_163 = arith.constant 0 : i32
      %eq3A_164 = arith.cmpi eq, %jit3A_162, %eq3A_163 : i32
      %jit3A_165 = arith.constant 1 : i32
      %select_n3A_166 = arith.select %eq3A_164, %jit3A_165, %jit3A_162 : i32
      %rem3A_167 = arith.remsi %mul3A_87, %select_n3A_166 : i32
      %ne3A_168 = arith.constant 0 : i32
      %ne3A_169 = arith.cmpi ne, %rem3A_167, %ne3A_168 : i32
      %lt3A_170 = arith.constant 0 : i32
      %lt3A_171 = arith.cmpi slt, %rem3A_167, %lt3A_170 : i32
      %lt3A_172 = arith.constant 0 : i32
      %lt3A_173 = arith.cmpi slt, %select_n3A_166, %lt3A_172 : i32
      %ne3A_174 = arith.xori %lt3A_171, %lt3A_173 : i1
      %and3A_175 = arith.andi %ne3A_174, %ne3A_169 : i1
      %add3A_176 = arith.addi %rem3A_167, %select_n3A_166 : i32
      %select_n3A_177 = arith.select %and3A_175, %add3A_176, %rem3A_167 : i32
      %mul3A_178 = arith.constant 4096 : i32
      %mul3A_179 = arith.muli %select_n3A_177, %mul3A_178 : i32
      %dma_start3A_180 = arith.constant 0 : i32
      %dma_start3A_181 = tpu.memref_slice %arg4[%select_n3A_161, %add3A_32, %mul3A_179] : memref<50x64x16384xf32, #tpu.memory_space<hbm>> -> memref<1x1x4096xf32, #tpu.memory_space<hbm>>
      %dma_start3A_182 = tpu.memref_squeeze %dma_start3A_181 : memref<1x1x4096xf32, #tpu.memory_space<hbm>> -> memref<4096xf32, #tpu.memory_space<hbm>>
      %dma_start3A_183 = tpu.memref_slice %arg11[%dma_start3A_180] : memref<2x!tpu.dma_semaphore, #tpu.memory_space<semaphore_mem>> -> memref<1x!tpu.dma_semaphore, #tpu.memory_space<semaphore_mem>>
      %dma_start3A_184 = tpu.memref_squeeze %dma_start3A_183 : memref<1x!tpu.dma_semaphore, #tpu.memory_space<semaphore_mem>> -> memref<!tpu.dma_semaphore, #tpu.memory_space<semaphore_mem>>
      %dma_start3A_185 = tpu.memref_slice %arg4[%select_n3A_161, %add3A_32, %mul3A_179] : memref<50x64x16384xf32, #tpu.memory_space<hbm>> -> memref<1x1x4096xf32, #tpu.memory_space<hbm>>
      %dma_start3A_186 = tpu.memref_squeeze %dma_start3A_185 : memref<1x1x4096xf32, #tpu.memory_space<hbm>> -> memref<4096xf32, #tpu.memory_space<hbm>>
      tpu.enqueue_dma source(%arg8 : memref<4096xf32, #tpu.memory_space<vmem>>) target(%dma_start3A_186 : memref<4096xf32, #tpu.memory_space<hbm>>) target_semaphore(%dma_start3A_184 : memref<!tpu.dma_semaphore, #tpu.memory_space<semaphore_mem>>)
      %not3A_187 = arith.constant true
      %not3A_188 = arith.xori %eq3A_91, %not3A_187 : i1
      %convert_element_type3A_189 = arith.extui %not3A_188 : i1 to i32
      %cond3A_190 = arith.constant 0 : i32
      %cond3A_191 = arith.cmpi ne, %convert_element_type3A_189, %cond3A_190 : i32
      scf.if %cond3A_191 {
        %add3A_313 = arith.constant 2 : i32
        %add3A_314 = arith.addi %mul3A_87, %add3A_313 : i32
        %jit3A_315 = arith.constant 4 : i32
        %div3A_316 = arith.divsi %add3A_314, %jit3A_315 : i32
        %sign3A_317 = arith.constant 0 : i32
        %sign3A_318 = arith.cmpi sgt, %add3A_314, %sign3A_317 : i32
        %sign3A_319 = arith.extui %sign3A_318 : i1 to i32
        %sign3A_320 = arith.constant 0 : i32
        %sign3A_321 = arith.cmpi slt, %add3A_314, %sign3A_320 : i32
        %sign3A_322 = arith.extui %sign3A_321 : i1 to i32
        %sign3A_323 = arith.subi %sign3A_319, %sign3A_322 : i32
        %sign3A_324 = arith.constant 0 : i32
        %sign3A_325 = arith.cmpi sgt, %jit3A_315, %sign3A_324 : i32
        %sign3A_326 = arith.extui %sign3A_325 : i1 to i32
        %sign3A_327 = arith.constant 0 : i32
        %sign3A_328 = arith.cmpi slt, %jit3A_315, %sign3A_327 : i32
        %sign3A_329 = arith.extui %sign3A_328 : i1 to i32
        %sign3A_330 = arith.subi %sign3A_326, %sign3A_329 : i32
        %ne3A_331 = arith.cmpi ne, %sign3A_323, %sign3A_330 : i32
        %rem3A_332 = arith.remsi %add3A_314, %jit3A_315 : i32
        %ne3A_333 = arith.constant 0 : i32
        %ne3A_334 = arith.cmpi ne, %rem3A_332, %ne3A_333 : i32
        %and3A_335 = arith.andi %ne3A_331, %ne3A_334 : i1
        %sub3A_336 = arith.constant 1 : i32
        %sub3A_337 = arith.subi %div3A_316, %sub3A_336 : i32
        %select_n3A_338 = arith.select %and3A_335, %sub3A_337, %div3A_316 : i32
        %jit3A_339 = arith.constant 4 : i32
        %eq3A_340 = arith.constant 0 : i32
        %eq3A_341 = arith.cmpi eq, %jit3A_339, %eq3A_340 : i32
        %jit3A_342 = arith.constant 1 : i32
        %select_n3A_343 = arith.select %eq3A_341, %jit3A_342, %jit3A_339 : i32
        %rem3A_344 = arith.remsi %add3A_314, %select_n3A_343 : i32
        %ne3A_345 = arith.constant 0 : i32
        %ne3A_346 = arith.cmpi ne, %rem3A_344, %ne3A_345 : i32
        %lt3A_347 = arith.constant 0 : i32
        %lt3A_348 = arith.cmpi slt, %rem3A_344, %lt3A_347 : i32
        %lt3A_349 = arith.constant 0 : i32
        %lt3A_350 = arith.cmpi slt, %select_n3A_343, %lt3A_349 : i32
        %ne3A_351 = arith.xori %lt3A_348, %lt3A_350 : i1
        %and3A_352 = arith.andi %ne3A_351, %ne3A_346 : i1
        %add3A_353 = arith.addi %rem3A_344, %select_n3A_343 : i32
        %select_n3A_354 = arith.select %and3A_352, %add3A_353, %rem3A_344 : i32
        %mul3A_355 = arith.constant 4096 : i32
        %mul3A_356 = arith.muli %select_n3A_354, %mul3A_355 : i32
        %dma_start3A_357 = arith.constant 0 : i32
        %dma_start3A_358 = tpu.memref_slice %arg2[%select_n3A_338, %mul3A_356] : memref<50x16384xi32, #tpu.memory_space<hbm>> -> memref<1x4096xi32, #tpu.memory_space<hbm>>
        %dma_start3A_359 = tpu.memref_squeeze %dma_start3A_358 : memref<1x4096xi32, #tpu.memory_space<hbm>> -> memref<4096xi32, #tpu.memory_space<hbm>>
        %dma_start3A_360 = tpu.memref_slice %arg10[%dma_start3A_357] : memref<2x!tpu.dma_semaphore, #tpu.memory_space<semaphore_mem>> -> memref<1x!tpu.dma_semaphore, #tpu.memory_space<semaphore_mem>>
        %dma_start3A_361 = tpu.memref_squeeze %dma_start3A_360 : memref<1x!tpu.dma_semaphore, #tpu.memory_space<semaphore_mem>> -> memref<!tpu.dma_semaphore, #tpu.memory_space<semaphore_mem>>
        %dma_start3A_362 = tpu.memref_slice %arg2[%select_n3A_338, %mul3A_356] : memref<50x16384xi32, #tpu.memory_space<hbm>> -> memref<1x4096xi32, #tpu.memory_space<hbm>>
        %dma_start3A_363 = tpu.memref_squeeze %dma_start3A_362 : memref<1x4096xi32, #tpu.memory_space<hbm>> -> memref<4096xi32, #tpu.memory_space<hbm>>
        tpu.enqueue_dma source(%dma_start3A_363 : memref<4096xi32, #tpu.memory_space<hbm>>) target(%arg6 : memref<4096xi32, #tpu.memory_space<vmem>>) target_semaphore(%dma_start3A_361 : memref<!tpu.dma_semaphore, #tpu.memory_space<semaphore_mem>>)
      } else {
      }
      %mul3A_192 = arith.constant 2 : i32
      %mul3A_193 = arith.muli %mul3A_192, %scan3A_83 : i32
      %add3A_194 = arith.constant 1 : i32
      %add3A_195 = arith.addi %mul3A_193, %add3A_194 : i32
      %mul3A_196 = arith.constant 2 : i32
      %mul3A_197 = arith.muli %mul3A_196, %scan3A_83 : i32
      %add3A_198 = arith.constant 1 : i32
      %add3A_199 = arith.addi %mul3A_197, %add3A_198 : i32
      %eq3A_200 = arith.constant 199 : i32
      %eq3A_201 = arith.cmpi eq, %add3A_199, %eq3A_200 : i32
      %jit3A_202 = arith.constant 4 : i32
      %div3A_203 = arith.divsi %add3A_195, %jit3A_202 : i32
      %sign3A_204 = arith.constant 0 : i32
      %sign3A_205 = arith.cmpi sgt, %add3A_195, %sign3A_204 : i32
      %sign3A_206 = arith.extui %sign3A_205 : i1 to i32
      %sign3A_207 = arith.constant 0 : i32
      %sign3A_208 = arith.cmpi slt, %add3A_195, %sign3A_207 : i32
      %sign3A_209 = arith.extui %sign3A_208 : i1 to i32
      %sign3A_210 = arith.subi %sign3A_206, %sign3A_209 : i32
      %sign3A_211 = arith.constant 0 : i32
      %sign3A_212 = arith.cmpi sgt, %jit3A_202, %sign3A_211 : i32
      %sign3A_213 = arith.extui %sign3A_212 : i1 to i32
      %sign3A_214 = arith.constant 0 : i32
      %sign3A_215 = arith.cmpi slt, %jit3A_202, %sign3A_214 : i32
      %sign3A_216 = arith.extui %sign3A_215 : i1 to i32
      %sign3A_217 = arith.subi %sign3A_213, %sign3A_216 : i32
      %ne3A_218 = arith.cmpi ne, %sign3A_210, %sign3A_217 : i32
      %rem3A_219 = arith.remsi %add3A_195, %jit3A_202 : i32
      %ne3A_220 = arith.constant 0 : i32
      %ne3A_221 = arith.cmpi ne, %rem3A_219, %ne3A_220 : i32
      %and3A_222 = arith.andi %ne3A_218, %ne3A_221 : i1
      %sub3A_223 = arith.constant 1 : i32
      %sub3A_224 = arith.subi %div3A_203, %sub3A_223 : i32
      %select_n3A_225 = arith.select %and3A_222, %sub3A_224, %div3A_203 : i32
      %jit3A_226 = arith.constant 4 : i32
      %eq3A_227 = arith.constant 0 : i32
      %eq3A_228 = arith.cmpi eq, %jit3A_226, %eq3A_227 : i32
      %jit3A_229 = arith.constant 1 : i32
      %select_n3A_230 = arith.select %eq3A_228, %jit3A_229, %jit3A_226 : i32
      %rem3A_231 = arith.remsi %add3A_195, %select_n3A_230 : i32
      %ne3A_232 = arith.constant 0 : i32
      %ne3A_233 = arith.cmpi ne, %rem3A_231, %ne3A_232 : i32
      %lt3A_234 = arith.constant 0 : i32
      %lt3A_235 = arith.cmpi slt, %rem3A_231, %lt3A_234 : i32
      %lt3A_236 = arith.constant 0 : i32
      %lt3A_237 = arith.cmpi slt, %select_n3A_230, %lt3A_236 : i32
      %ne3A_238 = arith.xori %lt3A_235, %lt3A_237 : i1
      %and3A_239 = arith.andi %ne3A_238, %ne3A_233 : i1
      %add3A_240 = arith.addi %rem3A_231, %select_n3A_230 : i32
      %select_n3A_241 = arith.select %and3A_239, %add3A_240, %rem3A_231 : i32
      %mul3A_242 = arith.constant 4096 : i32
      %mul3A_243 = arith.muli %select_n3A_241, %mul3A_242 : i32
      %dma_wait3A_244 = arith.constant 1 : i32
      %dma_wait3A_245 = tpu.memref_slice %arg2[%select_n3A_225, %mul3A_243] : memref<50x16384xi32, #tpu.memory_space<hbm>> -> memref<1x4096xi32, #tpu.memory_space<hbm>>
      %dma_wait3A_246 = tpu.memref_squeeze %dma_wait3A_245 : memref<1x4096xi32, #tpu.memory_space<hbm>> -> memref<4096xi32, #tpu.memory_space<hbm>>
      %dma_wait3A_247 = tpu.memref_slice %arg10[%dma_wait3A_244] : memref<2x!tpu.dma_semaphore, #tpu.memory_space<semaphore_mem>> -> memref<1x!tpu.dma_semaphore, #tpu.memory_space<semaphore_mem>>
      %dma_wait3A_248 = tpu.memref_squeeze %dma_wait3A_247 : memref<1x!tpu.dma_semaphore, #tpu.memory_space<semaphore_mem>> -> memref<!tpu.dma_semaphore, #tpu.memory_space<semaphore_mem>>
      %dma_wait3A_249 = tpu.memref_slice %arg2[%select_n3A_225, %mul3A_243] : memref<50x16384xi32, #tpu.memory_space<hbm>> -> memref<1x4096xi32, #tpu.memory_space<hbm>>
      %dma_wait3A_250 = tpu.memref_squeeze %dma_wait3A_249 : memref<1x4096xi32, #tpu.memory_space<hbm>> -> memref<4096xi32, #tpu.memory_space<hbm>>
      tpu.wait_dma2 semaphore(%dma_wait3A_248 : memref<!tpu.dma_semaphore, #tpu.memory_space<semaphore_mem>>) src(%dma_wait3A_250 : memref<4096xi32, #tpu.memory_space<hbm>>) dst(%arg7 : memref<4096xi32, #tpu.memory_space<vmem>>)
      %not3A_251 = arith.constant true
      %not3A_252 = arith.xori %and3A_85, %not3A_251 : i1
      %convert_element_type3A_253 = arith.extui %not3A_252 : i1 to i32
      %cond3A_254 = arith.constant 0 : i32
      %cond3A_255 = arith.cmpi ne, %convert_element_type3A_253, %cond3A_254 : i32
      scf.if %cond3A_255 {
        %sub3A_313 = arith.constant 2 : i32
        %sub3A_314 = arith.subi %add3A_195, %sub3A_313 : i32
        %jit3A_315 = arith.constant 4 : i32
        %div3A_316 = arith.divsi %sub3A_314, %jit3A_315 : i32
        %sign3A_317 = arith.constant 0 : i32
        %sign3A_318 = arith.cmpi sgt, %sub3A_314, %sign3A_317 : i32
        %sign3A_319 = arith.extui %sign3A_318 : i1 to i32
        %sign3A_320 = arith.constant 0 : i32
        %sign3A_321 = arith.cmpi slt, %sub3A_314, %sign3A_320 : i32
        %sign3A_322 = arith.extui %sign3A_321 : i1 to i32
        %sign3A_323 = arith.subi %sign3A_319, %sign3A_322 : i32
        %sign3A_324 = arith.constant 0 : i32
        %sign3A_325 = arith.cmpi sgt, %jit3A_315, %sign3A_324 : i32
        %sign3A_326 = arith.extui %sign3A_325 : i1 to i32
        %sign3A_327 = arith.constant 0 : i32
        %sign3A_328 = arith.cmpi slt, %jit3A_315, %sign3A_327 : i32
        %sign3A_329 = arith.extui %sign3A_328 : i1 to i32
        %sign3A_330 = arith.subi %sign3A_326, %sign3A_329 : i32
        %ne3A_331 = arith.cmpi ne, %sign3A_323, %sign3A_330 : i32
        %rem3A_332 = arith.remsi %sub3A_314, %jit3A_315 : i32
        %ne3A_333 = arith.constant 0 : i32
        %ne3A_334 = arith.cmpi ne, %rem3A_332, %ne3A_333 : i32
        %and3A_335 = arith.andi %ne3A_331, %ne3A_334 : i1
        %sub3A_336 = arith.constant 1 : i32
        %sub3A_337 = arith.subi %div3A_316, %sub3A_336 : i32
        %select_n3A_338 = arith.select %and3A_335, %sub3A_337, %div3A_316 : i32
        %jit3A_339 = arith.constant 4 : i32
        %eq3A_340 = arith.constant 0 : i32
        %eq3A_341 = arith.cmpi eq, %jit3A_339, %eq3A_340 : i32
        %jit3A_342 = arith.constant 1 : i32
        %select_n3A_343 = arith.select %eq3A_341, %jit3A_342, %jit3A_339 : i32
        %rem3A_344 = arith.remsi %sub3A_314, %select_n3A_343 : i32
        %ne3A_345 = arith.constant 0 : i32
        %ne3A_346 = arith.cmpi ne, %rem3A_344, %ne3A_345 : i32
        %lt3A_347 = arith.constant 0 : i32
        %lt3A_348 = arith.cmpi slt, %rem3A_344, %lt3A_347 : i32
        %lt3A_349 = arith.constant 0 : i32
        %lt3A_350 = arith.cmpi slt, %select_n3A_343, %lt3A_349 : i32
        %ne3A_351 = arith.xori %lt3A_348, %lt3A_350 : i1
        %and3A_352 = arith.andi %ne3A_351, %ne3A_346 : i1
        %add3A_353 = arith.addi %rem3A_344, %select_n3A_343 : i32
        %select_n3A_354 = arith.select %and3A_352, %add3A_353, %rem3A_344 : i32
        %mul3A_355 = arith.constant 4096 : i32
        %mul3A_356 = arith.muli %select_n3A_354, %mul3A_355 : i32
        %dma_wait3A_357 = arith.constant 1 : i32
        %dma_wait3A_358 = tpu.memref_slice %arg4[%select_n3A_338, %add3A_32, %mul3A_356] : memref<50x64x16384xf32, #tpu.memory_space<hbm>> -> memref<1x1x4096xf32, #tpu.memory_space<hbm>>
        %dma_wait3A_359 = tpu.memref_squeeze %dma_wait3A_358 : memref<1x1x4096xf32, #tpu.memory_space<hbm>> -> memref<4096xf32, #tpu.memory_space<hbm>>
        %dma_wait3A_360 = tpu.memref_slice %arg11[%dma_wait3A_357] : memref<2x!tpu.dma_semaphore, #tpu.memory_space<semaphore_mem>> -> memref<1x!tpu.dma_semaphore, #tpu.memory_space<semaphore_mem>>
        %dma_wait3A_361 = tpu.memref_squeeze %dma_wait3A_360 : memref<1x!tpu.dma_semaphore, #tpu.memory_space<semaphore_mem>> -> memref<!tpu.dma_semaphore, #tpu.memory_space<semaphore_mem>>
        %dma_wait3A_362 = tpu.memref_slice %arg4[%select_n3A_338, %add3A_32, %mul3A_356] : memref<50x64x16384xf32, #tpu.memory_space<hbm>> -> memref<1x1x4096xf32, #tpu.memory_space<hbm>>
        %dma_wait3A_363 = tpu.memref_squeeze %dma_wait3A_362 : memref<1x1x4096xf32, #tpu.memory_space<hbm>> -> memref<4096xf32, #tpu.memory_space<hbm>>
        tpu.wait_dma2 semaphore(%dma_wait3A_361 : memref<!tpu.dma_semaphore, #tpu.memory_space<semaphore_mem>>) src(%arg9 : memref<4096xf32, #tpu.memory_space<vmem>>) dst(%dma_wait3A_363 : memref<4096xf32, #tpu.memory_space<hbm>>)
      } else {
      }
      %parallel_loop3A_256 = arith.constant 0 : i32
      %parallel_loop3A_257 = arith.constant 256 : i32
      %parallel_loop3A_258 = arith.constant 1 : i32
      scf.for %parallel_loop3A_313 = %parallel_loop3A_256 to %parallel_loop3A_257 step %parallel_loop3A_258  : i32 {
        %parallel_loop3A_314 = arith.constant 16 : i32
        %parallel_loop3A_315 = arith.muli %parallel_loop3A_313, %parallel_loop3A_314 : i32
        %parallel_loop3A_316 = arith.index_cast %parallel_loop3A_315 : i32 to index
        %parallel_loop3A_317 = tpu.vector_load %arg7[%parallel_loop3A_316] {strides = array<i32>} : memref<4096xi32, #tpu.memory_space<vmem>>, vector<16xi32>,
        %parallel_loop3A_318 = tpu.vector_load_idx %arg5[%parallel_loop3A_317] : memref<100000xf32, #tpu.memory_space<vmem>>[vector<16xi32>], vector<16xf32>,
        %parallel_loop3A_319 = arith.index_cast %parallel_loop3A_315 : i32 to index
        %parallel_loop3A_320 = tpu.vector_load %arg9[%parallel_loop3A_319] {strides = array<i32>} : memref<4096xf32, #tpu.memory_space<vmem>>, vector<16xf32>,
        tpu.vector_store %arg9[%parallel_loop3A_319], %parallel_loop3A_318 {strides = array<i32>} : memref<4096xf32, #tpu.memory_space<vmem>>, vector<16xf32>,
      } {sc.loop_unroll_factor = 32 : i64, sc.parallel_access}
      %jit3A_259 = arith.constant 4 : i32
      %div3A_260 = arith.divsi %add3A_195, %jit3A_259 : i32
      %sign3A_261 = arith.constant 0 : i32
      %sign3A_262 = arith.cmpi sgt, %add3A_195, %sign3A_261 : i32
      %sign3A_263 = arith.extui %sign3A_262 : i1 to i32
      %sign3A_264 = arith.constant 0 : i32
      %sign3A_265 = arith.cmpi slt, %add3A_195, %sign3A_264 : i32
      %sign3A_266 = arith.extui %sign3A_265 : i1 to i32
      %sign3A_267 = arith.subi %sign3A_263, %sign3A_266 : i32
      %sign3A_268 = arith.constant 0 : i32
      %sign3A_269 = arith.cmpi sgt, %jit3A_259, %sign3A_268 : i32
      %sign3A_270 = arith.extui %sign3A_269 : i1 to i32
      %sign3A_271 = arith.constant 0 : i32
      %sign3A_272 = arith.cmpi slt, %jit3A_259, %sign3A_271 : i32
      %sign3A_273 = arith.extui %sign3A_272 : i1 to i32
      %sign3A_274 = arith.subi %sign3A_270, %sign3A_273 : i32
      %ne3A_275 = arith.cmpi ne, %sign3A_267, %sign3A_274 : i32
      %rem3A_276 = arith.remsi %add3A_195, %jit3A_259 : i32
      %ne3A_277 = arith.constant 0 : i32
      %ne3A_278 = arith.cmpi ne, %rem3A_276, %ne3A_277 : i32
      %and3A_279 = arith.andi %ne3A_275, %ne3A_278 : i1
      %sub3A_280 = arith.constant 1 : i32
      %sub3A_281 = arith.subi %div3A_260, %sub3A_280 : i32
      %select_n3A_282 = arith.select %and3A_279, %sub3A_281, %div3A_260 : i32
      %jit3A_283 = arith.constant 4 : i32
      %eq3A_284 = arith.constant 0 : i32
      %eq3A_285 = arith.cmpi eq, %jit3A_283, %eq3A_284 : i32
      %jit3A_286 = arith.constant 1 : i32
      %select_n3A_287 = arith.select %eq3A_285, %jit3A_286, %jit3A_283 : i32
      %rem3A_288 = arith.remsi %add3A_195, %select_n3A_287 : i32
      %ne3A_289 = arith.constant 0 : i32
      %ne3A_290 = arith.cmpi ne, %rem3A_288, %ne3A_289 : i32
      %lt3A_291 = arith.constant 0 : i32
      %lt3A_292 = arith.cmpi slt, %rem3A_288, %lt3A_291 : i32
      %lt3A_293 = arith.constant 0 : i32
      %lt3A_294 = arith.cmpi slt, %select_n3A_287, %lt3A_293 : i32
      %ne3A_295 = arith.xori %lt3A_292, %lt3A_294 : i1
      %and3A_296 = arith.andi %ne3A_295, %ne3A_290 : i1
      %add3A_297 = arith.addi %rem3A_288, %select_n3A_287 : i32
      %select_n3A_298 = arith.select %and3A_296, %add3A_297, %rem3A_288 : i32
      %mul3A_299 = arith.constant 4096 : i32
      %mul3A_300 = arith.muli %select_n3A_298, %mul3A_299 : i32
      %dma_start3A_301 = arith.constant 1 : i32
      %dma_start3A_302 = tpu.memref_slice %arg4[%select_n3A_282, %add3A_32, %mul3A_300] : memref<50x64x16384xf32, #tpu.memory_space<hbm>> -> memref<1x1x4096xf32, #tpu.memory_space<hbm>>
      %dma_start3A_303 = tpu.memref_squeeze %dma_start3A_302 : memref<1x1x4096xf32, #tpu.memory_space<hbm>> -> memref<4096xf32, #tpu.memory_space<hbm>>
      %dma_start3A_304 = tpu.memref_slice %arg11[%dma_start3A_301] : memref<2x!tpu.dma_semaphore, #tpu.memory_space<semaphore_mem>> -> memref<1x!tpu.dma_semaphore, #tpu.memory_space<semaphore_mem>>
      %dma_start3A_305 = tpu.memref_squeeze %dma_start3A_304 : memref<1x!tpu.dma_semaphore, #tpu.memory_space<semaphore_mem>> -> memref<!tpu.dma_semaphore, #tpu.memory_space<semaphore_mem>>
      %dma_start3A_306 = tpu.memref_slice %arg4[%select_n3A_282, %add3A_32, %mul3A_300] : memref<50x64x16384xf32, #tpu.memory_space<hbm>> -> memref<1x1x4096xf32, #tpu.memory_space<hbm>>
      %dma_start3A_307 = tpu.memref_squeeze %dma_start3A_306 : memref<1x1x4096xf32, #tpu.memory_space<hbm>> -> memref<4096xf32, #tpu.memory_space<hbm>>
      tpu.enqueue_dma source(%arg9 : memref<4096xf32, #tpu.memory_space<vmem>>) target(%dma_start3A_307 : memref<4096xf32, #tpu.memory_space<hbm>>) target_semaphore(%dma_start3A_305 : memref<!tpu.dma_semaphore, #tpu.memory_space<semaphore_mem>>)
      %not3A_308 = arith.constant true
      %not3A_309 = arith.xori %eq3A_201, %not3A_308 : i1
      %convert_element_type3A_310 = arith.extui %not3A_309 : i1 to i32
      %cond3A_311 = arith.constant 0 : i32
      %cond3A_312 = arith.cmpi ne, %convert_element_type3A_310, %cond3A_311 : i32
      scf.if %cond3A_312 {
        %add3A_313 = arith.constant 2 : i32
        %add3A_314 = arith.addi %add3A_195, %add3A_313 : i32
        %jit3A_315 = arith.constant 4 : i32
        %div3A_316 = arith.divsi %add3A_314, %jit3A_315 : i32
        %sign3A_317 = arith.constant 0 : i32
        %sign3A_318 = arith.cmpi sgt, %add3A_314, %sign3A_317 : i32
        %sign3A_319 = arith.extui %sign3A_318 : i1 to i32
        %sign3A_320 = arith.constant 0 : i32
        %sign3A_321 = arith.cmpi slt, %add3A_314, %sign3A_320 : i32
        %sign3A_322 = arith.extui %sign3A_321 : i1 to i32
        %sign3A_323 = arith.subi %sign3A_319, %sign3A_322 : i32
        %sign3A_324 = arith.constant 0 : i32
        %sign3A_325 = arith.cmpi sgt, %jit3A_315, %sign3A_324 : i32
        %sign3A_326 = arith.extui %sign3A_325 : i1 to i32
        %sign3A_327 = arith.constant 0 : i32
        %sign3A_328 = arith.cmpi slt, %jit3A_315, %sign3A_327 : i32
        %sign3A_329 = arith.extui %sign3A_328 : i1 to i32
        %sign3A_330 = arith.subi %sign3A_326, %sign3A_329 : i32
        %ne3A_331 = arith.cmpi ne, %sign3A_323, %sign3A_330 : i32
        %rem3A_332 = arith.remsi %add3A_314, %jit3A_315 : i32
        %ne3A_333 = arith.constant 0 : i32
        %ne3A_334 = arith.cmpi ne, %rem3A_332, %ne3A_333 : i32
        %and3A_335 = arith.andi %ne3A_331, %ne3A_334 : i1
        %sub3A_336 = arith.constant 1 : i32
        %sub3A_337 = arith.subi %div3A_316, %sub3A_336 : i32
        %select_n3A_338 = arith.select %and3A_335, %sub3A_337, %div3A_316 : i32
        %jit3A_339 = arith.constant 4 : i32
        %eq3A_340 = arith.constant 0 : i32
        %eq3A_341 = arith.cmpi eq, %jit3A_339, %eq3A_340 : i32
        %jit3A_342 = arith.constant 1 : i32
        %select_n3A_343 = arith.select %eq3A_341, %jit3A_342, %jit3A_339 : i32
        %rem3A_344 = arith.remsi %add3A_314, %select_n3A_343 : i32
        %ne3A_345 = arith.constant 0 : i32
        %ne3A_346 = arith.cmpi ne, %rem3A_344, %ne3A_345 : i32
        %lt3A_347 = arith.constant 0 : i32
        %lt3A_348 = arith.cmpi slt, %rem3A_344, %lt3A_347 : i32
        %lt3A_349 = arith.constant 0 : i32
        %lt3A_350 = arith.cmpi slt, %select_n3A_343, %lt3A_349 : i32
        %ne3A_351 = arith.xori %lt3A_348, %lt3A_350 : i1
        %and3A_352 = arith.andi %ne3A_351, %ne3A_346 : i1
        %add3A_353 = arith.addi %rem3A_344, %select_n3A_343 : i32
        %select_n3A_354 = arith.select %and3A_352, %add3A_353, %rem3A_344 : i32
        %mul3A_355 = arith.constant 4096 : i32
        %mul3A_356 = arith.muli %select_n3A_354, %mul3A_355 : i32
        %dma_start3A_357 = arith.constant 1 : i32
        %dma_start3A_358 = tpu.memref_slice %arg2[%select_n3A_338, %mul3A_356] : memref<50x16384xi32, #tpu.memory_space<hbm>> -> memref<1x4096xi32, #tpu.memory_space<hbm>>
        %dma_start3A_359 = tpu.memref_squeeze %dma_start3A_358 : memref<1x4096xi32, #tpu.memory_space<hbm>> -> memref<4096xi32, #tpu.memory_space<hbm>>
        %dma_start3A_360 = tpu.memref_slice %arg10[%dma_start3A_357] : memref<2x!tpu.dma_semaphore, #tpu.memory_space<semaphore_mem>> -> memref<1x!tpu.dma_semaphore, #tpu.memory_space<semaphore_mem>>
        %dma_start3A_361 = tpu.memref_squeeze %dma_start3A_360 : memref<1x!tpu.dma_semaphore, #tpu.memory_space<semaphore_mem>> -> memref<!tpu.dma_semaphore, #tpu.memory_space<semaphore_mem>>
        %dma_start3A_362 = tpu.memref_slice %arg2[%select_n3A_338, %mul3A_356] : memref<50x16384xi32, #tpu.memory_space<hbm>> -> memref<1x4096xi32, #tpu.memory_space<hbm>>
        %dma_start3A_363 = tpu.memref_squeeze %dma_start3A_362 : memref<1x4096xi32, #tpu.memory_space<hbm>> -> memref<4096xi32, #tpu.memory_space<hbm>>
        tpu.enqueue_dma source(%dma_start3A_363 : memref<4096xi32, #tpu.memory_space<hbm>>) target(%arg7 : memref<4096xi32, #tpu.memory_space<vmem>>) target_semaphore(%dma_start3A_361 : memref<!tpu.dma_semaphore, #tpu.memory_space<semaphore_mem>>)
      } else {
      }
    }
    %scan3A_58 = arith.constant 100 : i32
    %mul3A_59 = arith.constant 2 : i32
    %mul3A_60 = arith.muli %add3A, %mul3A_59 : i32
    %add3A_61 = arith.constant 2 : i32
    %add3A_62 = arith.addi %mul3A_60, %add3A_61 : i32
    %sub3A = arith.constant 1 : i32
    %sub3A_63 = arith.subi %add3A_62, %sub3A : i32
    %dma_wait3A = arith.constant 49 : i32
    %dma_wait3A_64 = arith.constant 0 : i32
    %dma_wait3A_65 = arith.constant 8192 : i32
    %dma_wait3A_66 = tpu.memref_slice %arg4[%dma_wait3A, %sub3A_63, %dma_wait3A_65] : memref<50x64x16384xf32, #tpu.memory_space<hbm>> -> memref<1x1x4096xf32, #tpu.memory_space<hbm>>
    %dma_wait3A_67 = tpu.memref_squeeze %dma_wait3A_66 : memref<1x1x4096xf32, #tpu.memory_space<hbm>> -> memref<4096xf32, #tpu.memory_space<hbm>>
    %dma_wait3A_68 = tpu.memref_slice %arg11[%dma_wait3A_64] : memref<2x!tpu.dma_semaphore, #tpu.memory_space<semaphore_mem>> -> memref<1x!tpu.dma_semaphore, #tpu.memory_space<semaphore_mem>>
    %dma_wait3A_69 = tpu.memref_squeeze %dma_wait3A_68 : memref<1x!tpu.dma_semaphore, #tpu.memory_space<semaphore_mem>> -> memref<!tpu.dma_semaphore, #tpu.memory_space<semaphore_mem>>
    %dma_wait3A_70 = arith.constant 8192 : i32
    %dma_wait3A_71 = tpu.memref_slice %arg4[%dma_wait3A, %sub3A_63, %dma_wait3A_70] : memref<50x64x16384xf32, #tpu.memory_space<hbm>> -> memref<1x1x4096xf32, #tpu.memory_space<hbm>>
    %dma_wait3A_72 = tpu.memref_squeeze %dma_wait3A_71 : memref<1x1x4096xf32, #tpu.memory_space<hbm>> -> memref<4096xf32, #tpu.memory_space<hbm>>
    tpu.wait_dma2 semaphore(%dma_wait3A_69 : memref<!tpu.dma_semaphore, #tpu.memory_space<semaphore_mem>>) src(%arg8 : memref<4096xf32, #tpu.memory_space<vmem>>) dst(%dma_wait3A_72 : memref<4096xf32, #tpu.memory_space<hbm>>)
    %dma_wait3A_73 = arith.constant 49 : i32
    %dma_wait3A_74 = arith.constant 1 : i32
    %dma_wait3A_75 = arith.constant 12288 : i32
    %dma_wait3A_76 = tpu.memref_slice %arg4[%dma_wait3A_73, %sub3A_63, %dma_wait3A_75] : memref<50x64x16384xf32, #tpu.memory_space<hbm>> -> memref<1x1x4096xf32, #tpu.memory_space<hbm>>
    %dma_wait3A_77 = tpu.memref_squeeze %dma_wait3A_76 : memref<1x1x4096xf32, #tpu.memory_space<hbm>> -> memref<4096xf32, #tpu.memory_space<hbm>>
    %dma_wait3A_78 = tpu.memref_slice %arg11[%dma_wait3A_74] : memref<2x!tpu.dma_semaphore, #tpu.memory_space<semaphore_mem>> -> memref<1x!tpu.dma_semaphore, #tpu.memory_space<semaphore_mem>>
    %dma_wait3A_79 = tpu.memref_squeeze %dma_wait3A_78 : memref<1x!tpu.dma_semaphore, #tpu.memory_space<semaphore_mem>> -> memref<!tpu.dma_semaphore, #tpu.memory_space<semaphore_mem>>
    %dma_wait3A_80 = arith.constant 12288 : i32
    %dma_wait3A_81 = tpu.memref_slice %arg4[%dma_wait3A_73, %sub3A_63, %dma_wait3A_80] : memref<50x64x16384xf32, #tpu.memory_space<hbm>> -> memref<1x1x4096xf32, #tpu.memory_space<hbm>>
    %dma_wait3A_82 = tpu.memref_squeeze %dma_wait3A_81 : memref<1x1x4096xf32, #tpu.memory_space<hbm>> -> memref<4096xf32, #tpu.memory_space<hbm>>
    tpu.wait_dma2 semaphore(%dma_wait3A_79 : memref<!tpu.dma_semaphore, #tpu.memory_space<semaphore_mem>>) src(%arg9 : memref<4096xf32, #tpu.memory_space<vmem>>) dst(%dma_wait3A_82 : memref<4096xf32, #tpu.memory_space<hbm>>)
    return
  }
}

</mosaic_0001>

<sc_bundles>
// kernel: kernel.3.cloned.1.call-start
scs
__scs_entry_jumppad:
0x0: {  	(pc) =	sbr.rel $0x88, $3  }
0x1: {  	(tag) =	ssettag $0x0;
	lr =	simm.s32 $0x1  }
0x2: {  	[smem:$0x3F9F] =	sst lr;
	_ =	strace $0xD0000000  }
0x3: {  	_ = 	snop  }
0x4: {  	_ = 	snop  }
0x5: {  	_ = 	snop  }
0x6: {  	_ = 	snop  }
0x7: {  	_ = 	snop  }
__scs_overlays_trampoline_lowered:
0x8: {  	[smem:$0x3FAE] =	sst s0  }
0x9: {  	[smem:$0x3FAF] =	sst s1  }
0xa: {  	[smem:$0x3FB0] =	sst s2  }
0xb: {  	[smem:$0x3FB1] =	sst s3  }
0xc: {  	[smem:$0x3FB2] =	sst s4  }
0xd: {  	[smem:$0x3FB3] =	sst s5  }
0xe: {  	[smem:$0x3FB4] =	sst s6  }
0xf: {  	[smem:$0x3FB5] =	sst s7  }
0x10: {  	[smem:$0x3FB6] =	sst s8  }
0x11: {  	[smem:$0x3FB7] =	sst s9;
	s0 =	simm.s32 @!p0 $0x0  }
0x12: {  	s1 =	sld [smem:$0x3F9D];
	s0 =	simm.s32 @p0 $0x1  }
0x13: {  	[smem:$0x3FB8] =	sst s0;
	s0 =	simm.s32 @!p1 $0x0  }
0x14: {  	s2 =	sld [smem:$0x3F9C];
	s0 =	simm.s32 @p1 $0x1  }
0x15: {  	[smem:$0x3FB9] =	sst s0;
	s0 =	simm.s32 @!p2 $0x0  }
0x16: {  	s3 =	sld [smem:$0x3FDB];
	s0 =	simm.s32 @p2 $0x1  }
0x17: {  	s4 =	simm.s32 $0x1BF5;
	[smem:$0x3FBB] =	sst s0  }
0x18: {  	s0 =	sld [smem:$0x3F9E];
	_ =	swait.ge [sflag:s4], $0x0  }
0x19: {  	s7 =	sld [smem:$0x3F9F]  }
0x1a: {  	s8 =	sadd.s32 $0xFFFFE003, lr  }
0x1b: {  	s9 =	sadd.s32 $0xFFFFFEF7, lr;
	s5 =	simm.s32 $0xFFFFFFFF;
	p2 =	slt.u32 s8, $0xFFFFF086  }
0x1c: {  	p1 =	slt.u32 s9, $0xF7A;
	s5 =	simm.s32 @!p2 $0x0  }
0x1d: {  	s5 =	simm.s32 @p1 $0x1;
	p0 =	seq.s32 s7, s2  }
0x1e: {  	s7 =	smul.u32 @!p0 $0xF7A, s2;
	p2 =	seq.s32 @!p0 s5, $0x0  }
0x1f: {  	s9 =	smul.u32 $0xF7A, s1;
	s8 =	simm.s32 @!p0 $0x1BF5;
	p2 =	por !p2, p0  }
0x20: {  	[sflag:s8] =	ssyncset.s32 @!p0 $0xFFFFF086;
	s6 =	sadd.s32 @!p0 s3, s7;
	s7 =	simm.s32 @!p0 $0x108  }
0x21: {  	s3 =	sadd.s32 s3, s9;
	s6 =	sadd.s32 @!p0 $0x88, s6;
	s7 =	simm.s32 @p2 $0x1082  }
0x22: {  	[simem:s7], [sflag:s8] =	dma.local @!p0 [hbm:s6], $0xF7A  }
0x23: {  	s9 =	sor.u32 $0xD0000000, s2;
	s6 =	simm.s32 $0x108;
	_ =	swait.ge @!p0 [sflag:s8], $0x0  }
0x24: {  	s3 =	sadd.s32 $0x88, s3;
	s6 =	simm.s32 @!p1 $0x1082;
	[sflag:s4] =	ssyncset.s32 $0xFFFFF086  }
0x25: {  	[simem:s6], [sflag:s4] =	dma.local [hbm:s3], $0xF7A  }
0x26: {  	[smem:$0x3F9F] =	sst s1;
	(tag) =	ssettag s2;
	_ =	strace s9  }
0x27: {  	s1 =	sld [smem:$0x3FAF]  }
0x28: {  	s2 =	sld [smem:$0x3FB0]  }
0x29: {  	s4 =	sld [smem:$0x3FB2]  }
0x2a: {  	p0 =	seq.s32 s5, $0x0;
	s5 =	sld [smem:$0x3FB3]  }
0x2b: {  	s6 =	sld [smem:$0x3FB4]  }
0x2c: {  	s7 =	sld [smem:$0x3FB5]  }
0x2d: {  	s3 =	simm.s32 $0x108;
	s8 =	sld [smem:$0x3FB6]  }
0x2e: {  	s3 =	simm.s32 @!p0 $0x1082;
	s9 =	sld [smem:$0x3FB7]  }
0x2f: {  	lr =	sadd.s32 s0, s3;
	s0 =	sld [smem:$0x3FAE]  }
0x30: {  	s3 =	sld [smem:$0x3FB1]  }
0x31: {  	[smem:$0x3FBA] =	sst s10  }
0x32: {  	s10 =	sld [smem:$0x3FB8];
	_ =	sdelay $0x3  }
0x33: {  	p0 =	seq.s32 s10, $0x1;
	s10 =	sld [smem:$0x3FBA];
	_ =	sdelay $0x3  }
0x34: {  	[smem:$0x3FBA] =	sst s10  }
0x35: {  	s10 =	sld [smem:$0x3FB9];
	_ =	sdelay $0x3  }
0x36: {  	p1 =	seq.s32 s10, $0x1;
	s10 =	sld [smem:$0x3FBA];
	_ =	sdelay $0x3  }
0x37: {  	[smem:$0x3FBA] =	sst s10  }
0x38: {  	s10 =	sld [smem:$0x3FBB]  }
0x39: {  	_ = 	snop;
	(pc) =	sbr.ind lr, $3  }
0x3a: {  	_ = 	snop  }
0x3b: {  	_ = 	snop  }
0x3c: {  	p2 =	seq.s32 s10, $0x1;
	s10 =	sld [smem:$0x3FBA]  }
0x3d: {  	_ =	shalt  }
0x3e: {  	_ =	shalt  }
0x3f: {  	_ =	shalt  }
0x40: {  	_ =	shalt  }
0x41: {  	_ =	shalt  }
0x42: {  	_ =	shalt  }
0x43: {  	_ =	shalt  }
0x44: {  	_ =	shalt  }
0x45: {  	_ =	shalt  }
0x46: {  	_ =	shalt  }
0x47: {  	_ =	shalt  }
0x48: {  	_ =	shalt  }
0x49: {  	_ =	shalt  }
0x4a: {  	_ =	shalt  }
0x4b: {  	_ =	shalt  }
0x4c: {  	_ =	shalt  }
0x4d: {  	_ =	shalt  }
0x4e: {  	_ =	shalt  }
0x4f: {  	_ =	shalt  }
0x50: {  	_ =	shalt  }
0x51: {  	_ =	shalt  }
0x52: {  	_ =	shalt  }
0x53: {  	_ =	shalt  }
0x54: {  	_ =	shalt  }
0x55: {  	_ =	shalt  }
0x56: {  	_ =	shalt  }
0x57: {  	_ =	shalt  }
0x58: {  	_ =	shalt  }
0x59: {  	_ =	shalt  }
0x5a: {  	_ =	shalt  }
0x5b: {  	_ =	shalt  }
0x5c: {  	_ =	shalt  }
0x5d: {  	_ =	shalt  }
0x5e: {  	_ =	shalt  }
0x5f: {  	_ =	shalt  }
0x60: {  	_ =	shalt  }
0x61: {  	_ =	shalt  }
0x62: {  	_ =	shalt  }
0x63: {  	_ =	shalt  }
0x64: {  	_ =	shalt  }
0x65: {  	_ =	shalt  }
0x66: {  	_ =	shalt  }
0x67: {  	_ =	shalt  }
0x68: {  	_ =	shalt  }
0x69: {  	_ =	shalt  }
0x6a: {  	_ =	shalt  }
0x6b: {  	_ =	shalt  }
0x6c: {  	_ =	shalt  }
0x6d: {  	_ =	shalt  }
0x6e: {  	_ =	shalt  }
0x6f: {  	_ =	shalt  }
0x70: {  	_ =	shalt  }
0x71: {  	_ =	shalt  }
0x72: {  	_ =	shalt  }
0x73: {  	_ =	shalt  }
0x74: {  	_ =	shalt  }
0x75: {  	_ =	shalt  }
0x76: {  	_ =	shalt  }
0x77: {  	_ =	shalt  }
0x78: {  	_ =	shalt  }
0x79: {  	_ =	shalt  }
0x7a: {  	_ =	shalt  }
0x7b: {  	_ =	shalt  }
0x7c: {  	_ =	shalt  }
0x7d: {  	_ =	shalt  }
0x7e: {  	_ =	shalt  }
0x7f: {  	_ =	shalt  }
0x80: {  	_ =	shalt  }
0x81: {  	_ =	shalt  }
0x82: {  	_ =	shalt  }
0x83: {  	_ =	shalt  }
0x84: {  	_ =	shalt  }
0x85: {  	_ =	shalt  }
0x86: {  	_ =	shalt  }
0x87: {  	_ =	shalt  }
.Lfunc_end0:
.L_simem_size_0:
called_computation_lowered:
.L_overlay_start_0:
0x88: {  	s2 =	sld [smem:$0x3FD9]  }
0x89: {  	s3 =	sld [smem:$0x3FFE];
	_ =	sdelay $0x1  }
0x8a: {  	s1 =	srdreg.scid  }
0x8b: {  	s0 =	sand.u32 $0x1, s1  }
0x8c: {  	s18 =	sshll.u32 s0, $0xA;
	s2 =	sadd.s32 s3, s2  }
0x8d: {  	s2 =	sadd.s32 s2, s18  }
0x8e: {  	[smem:$0x3FC6] =	sst s2  }
0x8f: {  	_ = 	snop  }
0x90: {  	s2 =	sld [smem:$0x3FC9]  }
0x91: {  	s19 =	sld [smem:$0x3FC8]  }
0x92: {  	s4 =	sld [smem:$0x3FD0];
	(tm) =	ssettm $0x1  }
0x93: {  	s5 =	sld [smem:$0x3FFB];
	_ =	sdelay $0x3  }
0x94: {  	_ =	strace s5  }
0x95: {  	s5 =	sld [smem:$0x3FFC];
	_ =	sdelay $0x3  }
0x96: {  	_ =	strace s5  }
0x97: {  	s5 =	sld [smem:$0x3FFD];
	_ =	sdelay $0x3  }
0x98: {  	_ =	strace s5  }
0x99: {  	_ =	strace $0x8FFFFFFF  }
0x9a: {  	s20 =	sld [smem:$0x3FDB];
	_ =	sdelay $0x1  }
0x9b: {  	s6 =	simm.s32 $_scs_section_size  }
0x9c: {  	s7 =	simm.s32 $_size__tile_overlayer_lowered;
	s8 =	simm.s32 $_tile_overlayer_lowered  }
0x9d: {  	s23 =	simm.s32 $0x1BFF;
	s22 =	sshll.u32 s8, $0x1;
	s5 =	sadd.s32 s6, s20  }
0x9e: {  	s9 =	simm.s32 $0x0;
	s21 =	sshll.u32 s7, $0x1;
	s7 =	sadd.s32 s22, s5  }
0x9f: {  	[timem:s9], [sflag:s23] =	dma.local [hbm:s7], s21  }
0xa0: {  	_ =	swait.ge [sflag:s23], s21  }
0xa1: {  	s6 =	ssub.s32 $0x0, s21;
	[sflag:s23] =	ssyncset.done $0x0  }
0xa2: {  	[sflag:s23] =	ssyncadd.s32 s6;
	_ =	sdelay $0x1  }
0xa3: {  	s24 =	simm.s32 $0x1B8B  }
0xa4: {  	_ =	swait.ge [sflag:s24], $0x1  }
0xa5: {  	[sflag:s24] =	ssyncset.done $0x0  }
0xa6: {  	s25 =	simm.s32 $0x1B8E;
	[sflag:s24] =	ssyncadd.s32 $0xFFFFFFFF  }
0xa7: {  	s26 =	simm.s32 $execute0_lowered;
	[smem:$0x3FD2] =	sst s25  }
0xa8: {  	s6 =	sshll.u32 s26, $0x1;
	_ =	strace $0x80000046;
	[dreg:$0x1] =	wrdreg $0xFFFFFFFF  }
0xa9: {  	s28 =	simm.s32 $_size_execute0_lowered;
	s5 =	sadd.s32 s5, s6;
	[dreg:$0x0] =	wrdreg $0x0  }
0xaa: {  	s6 =	sshll.u32 s28, $0x1;
	[dreg:$0x2] =	wrdreg s5  }
0xab: {  	[dreg:$0x3] =	wrdreg s6  }
0xac: {  	[dreg:$0x4] =	wrdreg $0xC0  }
0xad: {  	_ =	task [dreg:s9], $0x5FFFF  }
0xae: {  	[dreg:$0x1] =	wrdreg $0xFFFFFFFF  }
0xaf: {  	[dreg:$0x0] =	wrdreg $0x60  }
0xb0: {  	[dreg:$0x2] =	wrdreg s2  }
0xb1: {  	[dreg:$0x3] =	wrdreg s19  }
0xb2: {  	[dreg:$0x4] =	wrdreg s4  }
0xb3: {  	[dreg:$0x5] =	wrdreg $0x9  }
0xb4: {  	_ =	task.clear_ibuf [dreg:s9], $0x6FFFF;
	_ =	strace $0x90000046  }
0xb5: {  	s29 =	simm.s32 $0x9;
	_ =	strace $0x80000048  }
0xb6: {  	_ =	swait.ge [sflag:s29], $0x1  }
0xb7: {  	[sflag:s29] =	ssyncadd.s32 $0xFFFFFFFF  }
0xb8: {  	_ =	strace $0x90000048  }
0xb9: {  	_ =	sfence  }
0xba: {  	s30 =	sld [smem:$0x0];
	_ =	sdelay $0x2  }
0xbb: {  	s31 =	sshll.u32 s1, $0xD;
	s1 =	sshrl.u32 s1, $0x2  }
0xbc: {  	s3 =	sand.u32 $0x4000, s31;
	s1 =	sadd.s32 s1, s30  }
0xbd: {  	s0 =	sor.u32 s3, s0;
	s1 =	sshll.u32 s1, $0x11  }
0xbe: {  	s0 =	sor.u32 s1, s0  }
0xbf: {  	s0 =	sadd.s32 $0x8F2B, s0  }
0xc0: {  	[sflag:s0] =	ssyncadd.remote.s32 $0x1  }
0xc1: {  	_ =	sfence.sel $0xFFFF  }
0xc2: {  	[dreg:$0x0] =	wrdreg $0xFFFFFFFF;
	(pc) =	sbr.abs _section_cstart, $3  }
0xc3: {  	[dreg:$0x1] =	wrdreg $0xFFFFFFFF  }
0xc4: {  	_ =	task.clear_ibuf [dreg:s9], $0x2FFFF;
	_ =	strace $0x9FFFFFFF  }
0xc5: {  	(tm) =	ssettm $0x7FFFFFFF  }
tec
execute0_lowered:
.L_overlay_start_1:
0x0: {  	(tag) =	ssettag $0x1  }
0x1: {  	s1 =	rddreg [dreg:$0x0]  }
0x2: {  	s0 =	rddreg [dreg:$0x1]  }
0x3: {  	s2 =	rddreg [dreg:$0x2]  }
0x4: {  	s4 =	simm.s32 $0x0;
	s5 =	srdreg.scid;
	s3 =	stileid.u32  }
0x5: {  	s13 =	simm.s32 $0x80;
	s14 =	simm.s32 $0x400;
	s15 =	simm.s32 $0x5  }
0x6: {  	s16 =	simm.s32 $0x18700;
	s17 =	simm.s32 $0x19700;
	s18 =	simm.s32 $0x1  }
0x7: {  	s19 =	simm.s32 $0x1A700;
	s20 =	simm.s32 $0x2;
	s21 =	simm.s32 $0x4  }
0x8: {  	s22 =	simm.s32 $0x1B700;
	s23 =	simm.s32 $0x3;
	s24 =	simm.s32 $0x0  }
0x9: {  	[smem:$0x7FF] =	sst s4;
	s5 =	sand.u32 $0x1, s5;
	s7 =	sshll.u32 s3, $0x9  }
0xa: {  	s8 =	sshrl.u32 s3, $0x1;
	s6 =	ssub.s32 $0x2, s5;
	s5 =	sshll.u32 s5, $0x8  }
0xb: {  	s7 =	sand.u32 $0x200, s7;
	s9 =	smul.u32 $0xC3800, s8;
	_ =	strace $0x80000047  }
0xc: {  	s11 =	sshll.u32 s8, $0x11;
	s10 =	sshrl.u32 s6, $0x1;
	s7 =	sor.u32 s5, s7  }
.Ltmp0:
0xd: {  	s12 =	ssub.s32 s6, s10;
	s5 =	sor.u32 s9, s7;
	(pc) =	sbr.rel .LBB2_1-.Ltmp0, $4  }
0xe: {  	s30 =	sor.u32 $0x80, s7;
	s6 =	sor.u32 s11, s7;
	s7 =	sadd.s32 $0x1000, s1  }
0xf: {  	s5 =	sshrl.u32 s5, $0x3;
	s31 =	sor.u32 s9, s30;
	s8 =	sor.u32 $0x8000, s6  }
0x10: {  	s10 =	sor.u32 s11, s30;
	s11 =	sor.u32 $0x8080, s6;
	s9 =	sshrl.u32 s31, $0x3  }
0x11: {  	s12 =	smax.u32 s12, $0x1;
	s5 =	sadd.s32 s0, s5;
	s9 =	sadd.s32 s0, s9  }
.LBB2_19:
0x12: {  	s24 =	sadd.s32 $0x1, s24  }
0x13: {  	_ =	swait.ge [sflag:s23], $0x1000;
	p0 =	sne.s32 s24, s12  }
.Ltmp1:
0x14: {  	[sflag:s23] =	ssyncset.done $0x0;
	(pc) =	sbr.rel @!p0 .LBB2_20-.Ltmp1, $4  }
0x15: {  	[sflag:s23] =	ssyncadd.s32 $0xFFFFF000  }
0x16: {  	_ =	swait.ge [sflag:s21], $0x1000  }
0x17: {  	[sflag:s21] =	ssyncset.done $0x0  }
0x18: {  	[sflag:s21] =	ssyncadd.s32 $0xFFFFF000  }
.LBB2_1:
0x19: {  	[tilespmem:s4], [sflag:$0x5] =	stream.strided.gather [hbm4b:s5+s13], $0x18700, s14, s13, $0x38;
	[tilespmem:$0x1C700] =	vst v63  }
0x1a: {  	_ =	swait.ge [sflag:s15], $0x18700  }
0x1b: {  	[sflag:s15] =	ssyncset.done $0x0  }
0x1c: {  	[sflag:s15] =	ssyncadd.s32 $0xFFFE7900  }
0x1d: {  	[tilespmem:s16], [sflag:$0x1] =	stream.strided.gather [hbm4b:s1+s13], $0x1000, s14, s13, $0x38;
	[tilespmem:$0x1C700] =	vst v63  }
0x1e: {  	s25 =	simm.s32 $0x0  }
0x1f: {  	[tilespmem:s17], [sflag:$0x2] =	stream.strided.gather [hbm4b:s7+s13], $0x1000, s14, s13, $0x38;
	[tilespmem:$0x1C700] =	vst v63  }
.LBB2_2:
0x20: {  	_ =	swait.ge [sflag:s18], $0x1000  }
0x21: {  	p0 =	seq.s32 s25, $0x0;
	[sflag:s18] =	ssyncset.done $0x0  }
0x22: {  	s0 =	simm.s32 @!p0 $0x3;
	[sflag:s18] =	ssyncadd.s32 $0xFFFFF000  }
0x23: {  	_ =	swait.ge @!p0 [sflag:s0], $0x1000  }
0x24: {  	[sflag:s0] =	ssyncset.done @!p0 $0x0  }
0x25: {  	s26 =	simm.s32 $0x18800;
	[sflag:s0] =	ssyncadd.s32 @!p0 $0xFFFFF000  }
0x26: {  	v0 =	vld [tilespmem:s26+$0xF0]  }
0x27: {  	v1 =	vld [tilespmem:s26+$0xFFFFFF10]  }
0x28: {  	v2 =	vld [tilespmem:s26+$0xFFFFFF20]  }
0x29: {  	v3 =	vld [tilespmem:s26+$0xFFFFFF30]  }
0x2a: {  	v4 =	vld [tilespmem:s26+$0xFFFFFF40]  }
0x2b: {  	v5 =	vld [tilespmem:s26+$0xFFFFFF50]  }
0x2c: {  	v6 =	vld [tilespmem:s26+$0xFFFFFF60]  }
0x2d: {  	v7 =	vld [tilespmem:s26+$0xFFFFFF70]  }
0x2e: {  	v8 =	vld [tilespmem:s26+$0xFFFFFF80]  }
0x2f: {  	v9 =	vld [tilespmem:s26+$0xFFFFFF90]  }
0x30: {  	v10 =	vld [tilespmem:s26+$0xFFFFFFA0]  }
0x31: {  	v11 =	vld [tilespmem:s26+$0xFFFFFFB0]  }
0x32: {  	v12 =	vld [tilespmem:s26+$0xFFFFFFC0]  }
0x33: {  	v13 =	vld [tilespmem:s26+$0xFFFFFFD0]  }
0x34: {  	v14 =	vld [tilespmem:s26+$0xFFFFFFE0]  }
0x35: {  	v15 =	vld [tilespmem:s26+$0xFFFFFFF0]  }
0x36: {  	v16 =	vld [tilespmem:s26+$0x0]  }
0x37: {  	v17 =	vld [tilespmem:s26+$0x10]  }
0x38: {  	v18 =	vld [tilespmem:s26+$0x20]  }
0x39: {  	v19 =	vld [tilespmem:s26+$0x30]  }
0x3a: {  	v20 =	vld [tilespmem:s26+$0x40]  }
0x3b: {  	v21 =	vld [tilespmem:s26+$0x50]  }
0x3c: {  	v22 =	vld [tilespmem:s26+$0x60]  }
0x3d: {  	v23 =	vld [tilespmem:s26+$0x70]  }
0x3e: {  	v24 =	vld [tilespmem:s26+$0x80]  }
0x3f: {  	v25 =	vld [tilespmem:s26+$0x90]  }
0x40: {  	v26 =	vld [tilespmem:s26+$0xA0]  }
0x41: {  	v27 =	vld [tilespmem:s26+$0xB0]  }
0x42: {  	v28 =	vld [tilespmem:s26+$0xC0]  }
0x43: {  	v29 =	vld [tilespmem:s26+$0xD0]  }
0x44: {  	v30 =	vld [tilespmem:s26+$0xE0]  }
0x45: {  	v31 =	vld [tilespmem:s26+$0xFFFFFF00]  }
0x46: {  	v0 =	vld.idx.msk [tilespmem:v0+s4+$0x0], $0xffff  }
0x47: {  	v1 =	vld.idx.msk [tilespmem:v1+s4+$0x0], $0xffff  }
0x48: {  	v2 =	vld.idx.msk [tilespmem:v2+s4+$0x0], $0xffff  }
0x49: {  	v3 =	vld.idx.msk [tilespmem:v3+s4+$0x0], $0xffff  }
0x4a: {  	v4 =	vld.idx.msk [tilespmem:v4+s4+$0x0], $0xffff  }
0x4b: {  	s30 =	simm.s32 $0x1A800;
	v5 =	vld.idx.msk [tilespmem:v5+s4+$0x0], $0xffff  }
0x4c: {  	[tilespmem:s30+$0xF0] =	vst v0;
	v0 =	vld.idx.msk [tilespmem:v6+s4+$0x0], $0xffff  }
0x4d: {  	[tilespmem:s30+$0xFFFFFF10] =	vst v1;
	v1 =	vld.idx.msk [tilespmem:v7+s4+$0x0], $0xffff  }
0x4e: {  	v6 =	vld.idx.msk [tilespmem:v31+s4+$0x0], $0xffff;
	[tilespmem:s30+$0xFFFFFF20] =	vst v2  }
0x4f: {  	[tilespmem:s30+$0xFFFFFF30] =	vst v3;
	v2 =	vld.idx.msk [tilespmem:v8+s4+$0x0], $0xffff  }
0x50: {  	[tilespmem:s30+$0xFFFFFF40] =	vst v4;
	v3 =	vld.idx.msk [tilespmem:v9+s4+$0x0], $0xffff  }
0x51: {  	[tilespmem:s30+$0xFFFFFF50] =	vst v5;
	v4 =	vld.idx.msk [tilespmem:v10+s4+$0x0], $0xffff  }
0x52: {  	v5 =	vld.idx.msk [tilespmem:v13+s4+$0x0], $0xffff;
	[tilespmem:s30+$0xFFFFFF60] =	vst v0  }
0x53: {  	v7 =	vld.idx.msk [tilespmem:v24+s4+$0x0], $0xffff;
	[tilespmem:s30+$0xFFFFFF70] =	vst v1  }
0x54: {  	v0 =	vld.idx.msk [tilespmem:v11+s4+$0x0], $0xffff;
	[tilespmem:s30+$0xFFFFFF00] =	vst v6  }
0x55: {  	v1 =	vld.idx.msk [tilespmem:v12+s4+$0x0], $0xffff;
	[tilespmem:s30+$0xFFFFFF80] =	vst v2  }
0x56: {  	v2 =	vld.idx.msk [tilespmem:v14+s4+$0x0], $0xffff;
	[tilespmem:s30+$0xFFFFFF90] =	vst v3  }
0x57: {  	v3 =	vld.idx.msk [tilespmem:v15+s4+$0x0], $0xffff;
	[tilespmem:s30+$0xFFFFFFA0] =	vst v4  }
0x58: {  	v4 =	vld.idx.msk [tilespmem:v16+s4+$0x0], $0xffff;
	[tilespmem:s30+$0xFFFFFFD0] =	vst v5  }
0x59: {  	v5 =	vld.idx.msk [tilespmem:v19+s4+$0x0], $0xffff;
	[tilespmem:s30+$0x80] =	vst v7  }
0x5a: {  	v6 =	vld.idx.msk [tilespmem:v23+s4+$0x0], $0xffff;
	[tilespmem:s30+$0xFFFFFFB0] =	vst v0  }
0x5b: {  	v0 =	vld.idx.msk [tilespmem:v17+s4+$0x0], $0xffff;
	[tilespmem:s30+$0xFFFFFFC0] =	vst v1  }
0x5c: {  	v1 =	vld.idx.msk [tilespmem:v18+s4+$0x0], $0xffff;
	[tilespmem:s30+$0xFFFFFFE0] =	vst v2  }
0x5d: {  	v2 =	vld.idx.msk [tilespmem:v20+s4+$0x0], $0xffff;
	[tilespmem:s30+$0xFFFFFFF0] =	vst v3  }
0x5e: {  	v3 =	vld.idx.msk [tilespmem:v21+s4+$0x0], $0xffff;
	[tilespmem:s30+$0x0] =	vst v4  }
0x5f: {  	v4 =	vld.idx.msk [tilespmem:v22+s4+$0x0], $0xffff;
	[tilespmem:s30+$0x30] =	vst v5  }
0x60: {  	[tilespmem:s30+$0x70] =	vst v6;
	v5 =	vld.idx.msk [tilespmem:v30+s4+$0x0], $0xffff  }
0x61: {  	[tilespmem:s30+$0x20] =	vst v1;
	v1 =	vld.idx.msk [tilespmem:v25+s4+$0x0], $0xffff  }
0x62: {  	[tilespmem:s30+$0x40] =	vst v2;
	v2 =	vld.idx.msk [tilespmem:v26+s4+$0x0], $0xffff  }
0x63: {  	[tilespmem:s30+$0x50] =	vst v3;
	v3 =	vld.idx.msk [tilespmem:v27+s4+$0x0], $0xffff  }
0x64: {  	s3 =	sshll.u32 s25, $0x10;
	s29 =	simm.s32 $0x0;
	[tilespmem:s30+$0x10] =	vst v0;
	v0 =	vld.idx.msk [tilespmem:v28+s4+$0x0], $0xffff  }
0x65: {  	s31 =	simm.s32 $0x18A00;
	s28 =	sand.u32 $0x10000, s3;
	s26 =	sshll.u32 s25, $0x1;
	[tilespmem:s30+$0x60] =	vst v4;
	v4 =	vld.idx.msk [tilespmem:v29+s4+$0x0], $0xffff  }
.LBB2_3:
0x66: {  	v6 =	vld [tilespmem:s31+$0xF0];
	s29 =	sadd.s32 $0x20, s29;
	[tilespmem:s30+$0x90] =	vst v1  }
0x67: {  	v1 =	vld [tilespmem:s31+$0xFFFFFF10];
	p1 =	slt.u32 s29, $0xE0;
	[tilespmem:s30+$0xA0] =	vst v2  }
0x68: {  	v2 =	vld [tilespmem:s31+$0xFFFFFF20];
	[tilespmem:s30+$0xB0] =	vst v3  }
0x69: {  	v3 =	vld [tilespmem:s31+$0xFFFFFF30];
	[tilespmem:s30+$0xC0] =	vst v0  }
0x6a: {  	v0 =	vld [tilespmem:s31+$0xFFFFFF40];
	[tilespmem:s30+$0xD0] =	vst v4  }
0x6b: {  	v4 =	vld [tilespmem:s31+$0xFFFFFF50];
	[tilespmem:s30+$0xE0] =	vst v5  }
0x6c: {  	v5 =	vld [tilespmem:s31+$0xFFFFFF60]  }
0x6d: {  	v7 =	vld [tilespmem:s31+$0xFFFFFF70]  }
0x6e: {  	v6 =	vld.idx.msk [tilespmem:v6+s4+$0x0], $0xffff  }
0x6f: {  	v8 =	vld [tilespmem:s31+$0xFFFFFF80]  }
0x70: {  	v9 =	vld [tilespmem:s31+$0xFFFFFF90]  }
0x71: {  	v10 =	vld [tilespmem:s31+$0xFFFFFFA0]  }
0x72: {  	v11 =	vld [tilespmem:s31+$0xFFFFFFB0]  }
0x73: {  	s30 =	sadd.s32 $0x200, s30;
	v12 =	vld [tilespmem:s31+$0xFFFFFFC0]  }
0x74: {  	v13 =	vld [tilespmem:s31+$0xFFFFFFD0];
	[tilespmem:s30+$0xF0] =	vst v6  }
0x75: {  	v6 =	vld [tilespmem:s31+$0xFFFFFFE0]  }
0x76: {  	v14 =	vld [tilespmem:s31+$0xFFFFFFF0]  }
0x77: {  	v15 =	vld [tilespmem:s31+$0x0]  }
0x78: {  	v16 =	vld [tilespmem:s31+$0x10]  }
0x79: {  	v17 =	vld [tilespmem:s31+$0x20]  }
0x7a: {  	v18 =	vld [tilespmem:s31+$0x30]  }
0x7b: {  	v19 =	vld [tilespmem:s31+$0x40]  }
0x7c: {  	v20 =	vld [tilespmem:s31+$0x50]  }
0x7d: {  	v21 =	vld [tilespmem:s31+$0x60]  }
0x7e: {  	v22 =	vld [tilespmem:s31+$0x70]  }
0x7f: {  	v23 =	vld [tilespmem:s31+$0x80]  }
0x80: {  	v24 =	vld [tilespmem:s31+$0x90]  }
0x81: {  	v25 =	vld [tilespmem:s31+$0xA0]  }
0x82: {  	v26 =	vld [tilespmem:s31+$0xB0]  }
0x83: {  	v27 =	vld [tilespmem:s31+$0xC0]  }
0x84: {  	v28 =	vld [tilespmem:s31+$0xD0]  }
0x85: {  	v29 =	vld [tilespmem:s31+$0xE0]  }
0x86: {  	v30 =	vld [tilespmem:s31+$0xFFFFFF00]  }
0x87: {  	v1 =	vld.idx.msk [tilespmem:v1+s4+$0x0], $0xffff  }
0x88: {  	v2 =	vld.idx.msk [tilespmem:v2+s4+$0x0], $0xffff  }
0x89: {  	v3 =	vld.idx.msk [tilespmem:v3+s4+$0x0], $0xffff  }
0x8a: {  	v0 =	vld.idx.msk [tilespmem:v0+s4+$0x0], $0xffff  }
0x8b: {  	v4 =	vld.idx.msk [tilespmem:v4+s4+$0x0], $0xffff  }
0x8c: {  	v5 =	vld.idx.msk [tilespmem:v5+s4+$0x0], $0xffff  }
0x8d: {  	[tilespmem:s30+$0xFFFFFF10] =	vst v1;
	v1 =	vld.idx.msk [tilespmem:v7+s4+$0x0], $0xffff  }
0x8e: {  	v7 =	vld.idx.msk [tilespmem:v30+s4+$0x0], $0xffff;
	[tilespmem:s30+$0xFFFFFF20] =	vst v2  }
0x8f: {  	[tilespmem:s30+$0xFFFFFF30] =	vst v3;
	v2 =	vld.idx.msk [tilespmem:v8+s4+$0x0], $0xffff  }
0x90: {  	[tilespmem:s30+$0xFFFFFF40] =	vst v0;
	v0 =	vld.idx.msk [tilespmem:v9+s4+$0x0], $0xffff  }
0x91: {  	[tilespmem:s30+$0xFFFFFF50] =	vst v4;
	v3 =	vld.idx.msk [tilespmem:v10+s4+$0x0], $0xffff  }
0x92: {  	[tilespmem:s30+$0xFFFFFF60] =	vst v5;
	v4 =	vld.idx.msk [tilespmem:v11+s4+$0x0], $0xffff  }
0x93: {  	[tilespmem:s30+$0xFFFFFF70] =	vst v1;
	v1 =	vld.idx.msk [tilespmem:v12+s4+$0x0], $0xffff  }
0x94: {  	[tilespmem:s30+$0xFFFFFF00] =	vst v7;
	v5 =	vld.idx.msk [tilespmem:v13+s4+$0x0], $0xffff  }
0x95: {  	[tilespmem:s30+$0xFFFFFF80] =	vst v2;
	v2 =	vld.idx.msk [tilespmem:v6+s4+$0x0], $0xffff  }
0x96: {  	[tilespmem:s30+$0xFFFFFF90] =	vst v0;
	v0 =	vld.idx.msk [tilespmem:v14+s4+$0x0], $0xffff  }
0x97: {  	[tilespmem:s30+$0xFFFFFFA0] =	vst v3;
	v3 =	vld.idx.msk [tilespmem:v15+s4+$0x0], $0xffff  }
0x98: {  	[tilespmem:s30+$0xFFFFFFB0] =	vst v4;
	v4 =	vld.idx.msk [tilespmem:v16+s4+$0x0], $0xffff  }
0x99: {  	[tilespmem:s30+$0xFFFFFFC0] =	vst v1;
	v1 =	vld.idx.msk [tilespmem:v17+s4+$0x0], $0xffff  }
0x9a: {  	[tilespmem:s30+$0xFFFFFFD0] =	vst v5;
	v5 =	vld.idx.msk [tilespmem:v18+s4+$0x0], $0xffff  }
0x9b: {  	[tilespmem:s30+$0xFFFFFFE0] =	vst v2;
	v2 =	vld.idx.msk [tilespmem:v19+s4+$0x0], $0xffff  }
0x9c: {  	[tilespmem:s30+$0xFFFFFFF0] =	vst v0;
	v0 =	vld.idx.msk [tilespmem:v20+s4+$0x0], $0xffff  }
0x9d: {  	[tilespmem:s30+$0x0] =	vst v3;
	v6 =	vld.idx.msk [tilespmem:v21+s4+$0x0], $0xffff  }
0x9e: {  	[tilespmem:s30+$0x10] =	vst v4;
	v4 =	vld.idx.msk [tilespmem:v22+s4+$0x0], $0xffff  }
0x9f: {  	[tilespmem:s30+$0x20] =	vst v1;
	v7 =	vld.idx.msk [tilespmem:v23+s4+$0x0], $0xffff  }
0xa0: {  	[tilespmem:s30+$0x30] =	vst v5;
	v1 =	vld.idx.msk [tilespmem:v24+s4+$0x0], $0xffff  }
.Ltmp2:
0xa1: {  	[tilespmem:s30+$0x40] =	vst v2;
	v2 =	vld.idx.msk [tilespmem:v25+s4+$0x0], $0xffff;
	(pc) =	sbr.rel @p1 .LBB2_3-.Ltmp2, $4  }
0xa2: {  	[tilespmem:s30+$0x50] =	vst v0;
	v3 =	vld.idx.msk [tilespmem:v26+s4+$0x0], $0xffff  }
0xa3: {  	[tilespmem:s30+$0x60] =	vst v6;
	v0 =	vld.idx.msk [tilespmem:v27+s4+$0x0], $0xffff  }
0xa4: {  	[tilespmem:s30+$0x70] =	vst v4;
	v4 =	vld.idx.msk [tilespmem:v28+s4+$0x0], $0xffff  }
0xa5: {  	s31 =	sadd.s32 $0x200, s31;
	[tilespmem:s30+$0x80] =	vst v7;
	v5 =	vld.idx.msk [tilespmem:v29+s4+$0x0], $0xffff  }
0xa6: {  	[tilespmem:s30+$0x90] =	vst v1  }
0xa7: {  	[tilespmem:s30+$0xA0] =	vst v2;
	s0 =	sshll.u32 s25, $0x13;
	p1 =	sne.s32 s25, $0x63  }
.Ltmp3:
0xa8: {  	s31 =	sor.u32 s28, s6;
	[tilespmem:s30+$0xB0] =	vst v3;
	s29 =	sand.u32 $0x3F00000, s0;
	(pc) =	sbr.rel @p1 .LBB2_6-.Ltmp3, $4  }
0xa9: {  	[tilespmem:s30+$0xC0] =	vst v0;
	s0 =	sor.u32 s29, s31  }
0xaa: {  	[tilespmem:s30+$0xD0] =	vst v4;
	s0 =	sshrl.u32 s0, $0x3  }
0xab: {  	[tilespmem:s30+$0xE0] =	vst v5;
	s0 =	sadd.s32 s2, s0  }
0xac: {  	[hbm4b:s0+s13] =	stream.strided.scatter [tilespmem:s19], [sflag:$0x3], $0x1000, s14, s13, $0x38;
	[tilespmem:$0x1C700] =	vst v63  }
.Ltmp4:
0xad: {  	(pc) =	sbr.rel .LBB2_7-.Ltmp4, $4  }
0xae: {  	_ = 	snop  }
0xaf: {  	_ =	swait.ge [sflag:s20], $0x1000  }
0xb0: {  	[sflag:s20] =	ssyncset.done $0x0  }
0xb1: {  	[sflag:s20] =	ssyncadd.s32 $0xFFFFF000  }
.LBB2_6:
0xb2: {  	s0 =	sadd.s32 $0x2, s26  }
0xb3: {  	s30 =	sshll.u32 s0, $0x9;
	s31 =	sshll.u32 s0, $0xC;
	s0 =	sshll.u32 s0, $0x2  }
0xb4: {  	s30 =	sand.u32 $0x3C000, s30;
	s31 =	sand.u32 $0x2000, s31;
	s0 =	sand.u32 $0x70, s0  }
0xb5: {  	s30 =	sor.u32 s30, s31;
	s0 =	sadd.s32 s1, s0  }
.Ltmp5:
0xb6: {  	s0 =	sadd.s32 s30, s0;
	(pc) =	sbr.rel @p0 .LBB2_8-.Ltmp5, $4  }
0xb7: {  	[tilespmem:s16], [sflag:$0x1] =	stream.strided.gather [hbm4b:s0+s13], $0x1000, s14, s13, $0x38;
	[tilespmem:$0x1C700] =	vst v63  }
0xb8: {  	_ =	swait.ge [sflag:s20], $0x1000  }
0xb9: {  	[sflag:s20] =	ssyncset.done $0x0  }
0xba: {  	[sflag:s20] =	ssyncadd.s32 $0xFFFFF000  }
.LBB2_7:
0xbb: {  	_ =	swait.ge [sflag:s21], $0x1000  }
0xbc: {  	[sflag:s21] =	ssyncset.done $0x0  }
0xbd: {  	[sflag:s21] =	ssyncadd.s32 $0xFFFFF000  }
.LBB2_8:
0xbe: {  	s0 =	simm.s32 $0x19800  }
0xbf: {  	v0 =	vld [tilespmem:s0+$0xF0]  }
0xc0: {  	v1 =	vld [tilespmem:s0+$0xFFFFFF10]  }
0xc1: {  	v2 =	vld [tilespmem:s0+$0xFFFFFF20]  }
0xc2: {  	v3 =	vld [tilespmem:s0+$0xFFFFFF30]  }
0xc3: {  	v4 =	vld [tilespmem:s0+$0xFFFFFF40]  }
0xc4: {  	v5 =	vld [tilespmem:s0+$0xFFFFFF50]  }
0xc5: {  	v6 =	vld [tilespmem:s0+$0xFFFFFF60]  }
0xc6: {  	v7 =	vld [tilespmem:s0+$0xFFFFFF70]  }
0xc7: {  	v8 =	vld [tilespmem:s0+$0xFFFFFF80]  }
0xc8: {  	v9 =	vld [tilespmem:s0+$0xFFFFFF90]  }
0xc9: {  	v10 =	vld [tilespmem:s0+$0xFFFFFFA0]  }
0xca: {  	v11 =	vld [tilespmem:s0+$0xFFFFFFB0]  }
0xcb: {  	v12 =	vld [tilespmem:s0+$0xFFFFFFC0]  }
0xcc: {  	v13 =	vld [tilespmem:s0+$0xFFFFFFD0]  }
0xcd: {  	v14 =	vld [tilespmem:s0+$0xFFFFFFE0]  }
0xce: {  	v15 =	vld [tilespmem:s0+$0xFFFFFFF0]  }
0xcf: {  	v16 =	vld [tilespmem:s0+$0x0]  }
0xd0: {  	v17 =	vld [tilespmem:s0+$0x10]  }
0xd1: {  	v18 =	vld [tilespmem:s0+$0x20]  }
0xd2: {  	v19 =	vld [tilespmem:s0+$0x30]  }
0xd3: {  	v20 =	vld [tilespmem:s0+$0x40]  }
0xd4: {  	v21 =	vld [tilespmem:s0+$0x50]  }
0xd5: {  	v22 =	vld [tilespmem:s0+$0x60]  }
0xd6: {  	v23 =	vld [tilespmem:s0+$0x70]  }
0xd7: {  	v24 =	vld [tilespmem:s0+$0x80]  }
0xd8: {  	v25 =	vld [tilespmem:s0+$0x90]  }
0xd9: {  	v26 =	vld [tilespmem:s0+$0xA0]  }
0xda: {  	v27 =	vld [tilespmem:s0+$0xB0]  }
0xdb: {  	v28 =	vld [tilespmem:s0+$0xC0]  }
0xdc: {  	v29 =	vld [tilespmem:s0+$0xD0]  }
0xdd: {  	v30 =	vld [tilespmem:s0+$0xE0]  }
0xde: {  	v31 =	vld [tilespmem:s0+$0xFFFFFF00]  }
0xdf: {  	v0 =	vld.idx.msk [tilespmem:v0+s4+$0x0], $0xffff  }
0xe0: {  	v1 =	vld.idx.msk [tilespmem:v1+s4+$0x0], $0xffff  }
0xe1: {  	v2 =	vld.idx.msk [tilespmem:v2+s4+$0x0], $0xffff  }
0xe2: {  	v3 =	vld.idx.msk [tilespmem:v3+s4+$0x0], $0xffff  }
0xe3: {  	v4 =	vld.idx.msk [tilespmem:v4+s4+$0x0], $0xffff  }
0xe4: {  	s30 =	simm.s32 $0x1B800;
	v5 =	vld.idx.msk [tilespmem:v5+s4+$0x0], $0xffff  }
0xe5: {  	[tilespmem:s30+$0xF0] =	vst v0;
	v0 =	vld.idx.msk [tilespmem:v6+s4+$0x0], $0xffff  }
0xe6: {  	[tilespmem:s30+$0xFFFFFF10] =	vst v1;
	v1 =	vld.idx.msk [tilespmem:v7+s4+$0x0], $0xffff  }
0xe7: {  	v6 =	vld.idx.msk [tilespmem:v31+s4+$0x0], $0xffff;
	[tilespmem:s30+$0xFFFFFF20] =	vst v2  }
0xe8: {  	[tilespmem:s30+$0xFFFFFF30] =	vst v3;
	v2 =	vld.idx.msk [tilespmem:v8+s4+$0x0], $0xffff  }
0xe9: {  	[tilespmem:s30+$0xFFFFFF40] =	vst v4;
	v3 =	vld.idx.msk [tilespmem:v9+s4+$0x0], $0xffff  }
0xea: {  	[tilespmem:s30+$0xFFFFFF50] =	vst v5;
	v4 =	vld.idx.msk [tilespmem:v10+s4+$0x0], $0xffff  }
0xeb: {  	v5 =	vld.idx.msk [tilespmem:v13+s4+$0x0], $0xffff;
	[tilespmem:s30+$0xFFFFFF60] =	vst v0  }
0xec: {  	v7 =	vld.idx.msk [tilespmem:v24+s4+$0x0], $0xffff;
	[tilespmem:s30+$0xFFFFFF70] =	vst v1  }
0xed: {  	v0 =	vld.idx.msk [tilespmem:v11+s4+$0x0], $0xffff;
	[tilespmem:s30+$0xFFFFFF00] =	vst v6  }
0xee: {  	v1 =	vld.idx.msk [tilespmem:v12+s4+$0x0], $0xffff;
	[tilespmem:s30+$0xFFFFFF80] =	vst v2  }
0xef: {  	v2 =	vld.idx.msk [tilespmem:v14+s4+$0x0], $0xffff;
	[tilespmem:s30+$0xFFFFFF90] =	vst v3  }
0xf0: {  	v3 =	vld.idx.msk [tilespmem:v15+s4+$0x0], $0xffff;
	[tilespmem:s30+$0xFFFFFFA0] =	vst v4  }
0xf1: {  	v4 =	vld.idx.msk [tilespmem:v16+s4+$0x0], $0xffff;
	[tilespmem:s30+$0xFFFFFFD0] =	vst v5  }
0xf2: {  	v5 =	vld.idx.msk [tilespmem:v19+s4+$0x0], $0xffff;
	[tilespmem:s30+$0x80] =	vst v7  }
0xf3: {  	v6 =	vld.idx.msk [tilespmem:v23+s4+$0x0], $0xffff;
	[tilespmem:s30+$0xFFFFFFB0] =	vst v0  }
0xf4: {  	v0 =	vld.idx.msk [tilespmem:v17+s4+$0x0], $0xffff;
	[tilespmem:s30+$0xFFFFFFC0] =	vst v1  }
0xf5: {  	v1 =	vld.idx.msk [tilespmem:v18+s4+$0x0], $0xffff;
	[tilespmem:s30+$0xFFFFFFE0] =	vst v2  }
0xf6: {  	v2 =	vld.idx.msk [tilespmem:v20+s4+$0x0], $0xffff;
	[tilespmem:s30+$0xFFFFFFF0] =	vst v3  }
0xf7: {  	v3 =	vld.idx.msk [tilespmem:v21+s4+$0x0], $0xffff;
	[tilespmem:s30+$0x0] =	vst v4  }
0xf8: {  	v4 =	vld.idx.msk [tilespmem:v22+s4+$0x0], $0xffff;
	[tilespmem:s30+$0x30] =	vst v5  }
0xf9: {  	[tilespmem:s30+$0x70] =	vst v6;
	v5 =	vld.idx.msk [tilespmem:v30+s4+$0x0], $0xffff  }
0xfa: {  	[tilespmem:s30+$0x10] =	vst v0;
	v0 =	vld.idx.msk [tilespmem:v25+s4+$0x0], $0xffff  }
0xfb: {  	[tilespmem:s30+$0x20] =	vst v1;
	v1 =	vld.idx.msk [tilespmem:v26+s4+$0x0], $0xffff  }
0xfc: {  	[tilespmem:s30+$0x40] =	vst v2;
	v2 =	vld.idx.msk [tilespmem:v27+s4+$0x0], $0xffff  }
0xfd: {  	[tilespmem:s30+$0x50] =	vst v3;
	v3 =	vld.idx.msk [tilespmem:v28+s4+$0x0], $0xffff  }
0xfe: {  	s31 =	simm.s32 $0x0;
	s0 =	simm.s32 $0x19A00;
	[tilespmem:s30+$0x60] =	vst v4;
	v4 =	vld.idx.msk [tilespmem:v29+s4+$0x0], $0xffff  }
.LBB2_9:
0xff: {  	v6 =	vld [tilespmem:s0+$0xF0];
	s31 =	sadd.s32 $0x20, s31;
	[tilespmem:s30+$0x90] =	vst v0  }
0x100: {  	v0 =	vld [tilespmem:s0+$0xFFFFFF10];
	p0 =	slt.u32 s31, $0xE0;
	[tilespmem:s30+$0xA0] =	vst v1  }
0x101: {  	v1 =	vld [tilespmem:s0+$0xFFFFFF20];
	[tilespmem:s30+$0xB0] =	vst v2  }
0x102: {  	v2 =	vld [tilespmem:s0+$0xFFFFFF30];
	[tilespmem:s30+$0xC0] =	vst v3  }
0x103: {  	v3 =	vld [tilespmem:s0+$0xFFFFFF40];
	[tilespmem:s30+$0xD0] =	vst v4  }
0x104: {  	v4 =	vld [tilespmem:s0+$0xFFFFFF50];
	[tilespmem:s30+$0xE0] =	vst v5  }
0x105: {  	v5 =	vld [tilespmem:s0+$0xFFFFFF60]  }
0x106: {  	v7 =	vld [tilespmem:s0+$0xFFFFFF70]  }
0x107: {  	v6 =	vld.idx.msk [tilespmem:v6+s4+$0x0], $0xffff  }
0x108: {  	v8 =	vld [tilespmem:s0+$0xFFFFFF80]  }
0x109: {  	v9 =	vld [tilespmem:s0+$0xFFFFFF90]  }
0x10a: {  	v10 =	vld [tilespmem:s0+$0xFFFFFFA0]  }
0x10b: {  	v11 =	vld [tilespmem:s0+$0xFFFFFFB0]  }
0x10c: {  	s30 =	sadd.s32 $0x200, s30;
	v12 =	vld [tilespmem:s0+$0xFFFFFFC0]  }
0x10d: {  	v13 =	vld [tilespmem:s0+$0xFFFFFFD0];
	[tilespmem:s30+$0xF0] =	vst v6  }
0x10e: {  	v6 =	vld [tilespmem:s0+$0xFFFFFFE0]  }
0x10f: {  	v14 =	vld [tilespmem:s0+$0xFFFFFFF0]  }
0x110: {  	v15 =	vld [tilespmem:s0+$0x0]  }
0x111: {  	v16 =	vld [tilespmem:s0+$0x10]  }
0x112: {  	v17 =	vld [tilespmem:s0+$0x20]  }
0x113: {  	v18 =	vld [tilespmem:s0+$0x30]  }
0x114: {  	v19 =	vld [tilespmem:s0+$0x40]  }
0x115: {  	v20 =	vld [tilespmem:s0+$0x50]  }
0x116: {  	v21 =	vld [tilespmem:s0+$0x60]  }
0x117: {  	v22 =	vld [tilespmem:s0+$0x70]  }
0x118: {  	v23 =	vld [tilespmem:s0+$0x80]  }
0x119: {  	v24 =	vld [tilespmem:s0+$0x90]  }
0x11a: {  	v25 =	vld [tilespmem:s0+$0xA0]  }
0x11b: {  	v26 =	vld [tilespmem:s0+$0xB0]  }
0x11c: {  	v27 =	vld [tilespmem:s0+$0xC0]  }
0x11d: {  	v28 =	vld [tilespmem:s0+$0xD0]  }
0x11e: {  	v29 =	vld [tilespmem:s0+$0xE0]  }
0x11f: {  	v30 =	vld [tilespmem:s0+$0xFFFFFF00]  }
0x120: {  	v0 =	vld.idx.msk [tilespmem:v0+s4+$0x0], $0xffff  }
0x121: {  	v1 =	vld.idx.msk [tilespmem:v1+s4+$0x0], $0xffff  }
0x122: {  	v2 =	vld.idx.msk [tilespmem:v2+s4+$0x0], $0xffff  }
0x123: {  	v3 =	vld.idx.msk [tilespmem:v3+s4+$0x0], $0xffff  }
0x124: {  	v4 =	vld.idx.msk [tilespmem:v4+s4+$0x0], $0xffff  }
0x125: {  	v5 =	vld.idx.msk [tilespmem:v5+s4+$0x0], $0xffff  }
0x126: {  	[tilespmem:s30+$0xFFFFFF10] =	vst v0;
	v0 =	vld.idx.msk [tilespmem:v7+s4+$0x0], $0xffff  }
0x127: {  	v7 =	vld.idx.msk [tilespmem:v30+s4+$0x0], $0xffff;
	[tilespmem:s30+$0xFFFFFF20] =	vst v1  }
0x128: {  	[tilespmem:s30+$0xFFFFFF30] =	vst v2;
	v1 =	vld.idx.msk [tilespmem:v8+s4+$0x0], $0xffff  }
0x129: {  	[tilespmem:s30+$0xFFFFFF40] =	vst v3;
	v2 =	vld.idx.msk [tilespmem:v9+s4+$0x0], $0xffff  }
0x12a: {  	[tilespmem:s30+$0xFFFFFF50] =	vst v4;
	v3 =	vld.idx.msk [tilespmem:v10+s4+$0x0], $0xffff  }
0x12b: {  	[tilespmem:s30+$0xFFFFFF60] =	vst v5;
	v4 =	vld.idx.msk [tilespmem:v11+s4+$0x0], $0xffff  }
0x12c: {  	[tilespmem:s30+$0xFFFFFF70] =	vst v0;
	v0 =	vld.idx.msk [tilespmem:v12+s4+$0x0], $0xffff  }
0x12d: {  	[tilespmem:s30+$0xFFFFFF00] =	vst v7;
	v5 =	vld.idx.msk [tilespmem:v13+s4+$0x0], $0xffff  }
0x12e: {  	[tilespmem:s30+$0xFFFFFF80] =	vst v1;
	v1 =	vld.idx.msk [tilespmem:v6+s4+$0x0], $0xffff  }
0x12f: {  	[tilespmem:s30+$0xFFFFFF90] =	vst v2;
	v2 =	vld.idx.msk [tilespmem:v14+s4+$0x0], $0xffff  }
0x130: {  	[tilespmem:s30+$0xFFFFFFA0] =	vst v3;
	v3 =	vld.idx.msk [tilespmem:v15+s4+$0x0], $0xffff  }
0x131: {  	[tilespmem:s30+$0xFFFFFFB0] =	vst v4;
	v4 =	vld.idx.msk [tilespmem:v16+s4+$0x0], $0xffff  }
0x132: {  	[tilespmem:s30+$0xFFFFFFC0] =	vst v0;
	v0 =	vld.idx.msk [tilespmem:v17+s4+$0x0], $0xffff  }
0x133: {  	[tilespmem:s30+$0xFFFFFFD0] =	vst v5;
	v5 =	vld.idx.msk [tilespmem:v18+s4+$0x0], $0xffff  }
0x134: {  	[tilespmem:s30+$0xFFFFFFE0] =	vst v1;
	v1 =	vld.idx.msk [tilespmem:v19+s4+$0x0], $0xffff  }
0x135: {  	[tilespmem:s30+$0xFFFFFFF0] =	vst v2;
	v2 =	vld.idx.msk [tilespmem:v20+s4+$0x0], $0xffff  }
0x136: {  	[tilespmem:s30+$0x0] =	vst v3;
	v3 =	vld.idx.msk [tilespmem:v21+s4+$0x0], $0xffff  }
0x137: {  	[tilespmem:s30+$0x10] =	vst v4;
	v4 =	vld.idx.msk [tilespmem:v22+s4+$0x0], $0xffff  }
0x138: {  	[tilespmem:s30+$0x20] =	vst v0;
	v6 =	vld.idx.msk [tilespmem:v23+s4+$0x0], $0xffff  }
0x139: {  	[tilespmem:s30+$0x30] =	vst v5;
	v0 =	vld.idx.msk [tilespmem:v24+s4+$0x0], $0xffff  }
.Ltmp6:
0x13a: {  	[tilespmem:s30+$0x40] =	vst v1;
	v1 =	vld.idx.msk [tilespmem:v25+s4+$0x0], $0xffff;
	(pc) =	sbr.rel @p0 .LBB2_9-.Ltmp6, $4  }
0x13b: {  	[tilespmem:s30+$0x50] =	vst v2;
	v2 =	vld.idx.msk [tilespmem:v26+s4+$0x0], $0xffff  }
0x13c: {  	[tilespmem:s30+$0x60] =	vst v3;
	v3 =	vld.idx.msk [tilespmem:v27+s4+$0x0], $0xffff  }
0x13d: {  	[tilespmem:s30+$0x70] =	vst v4;
	v4 =	vld.idx.msk [tilespmem:v28+s4+$0x0], $0xffff  }
0x13e: {  	s0 =	sadd.s32 $0x200, s0;
	[tilespmem:s30+$0x80] =	vst v6;
	v5 =	vld.idx.msk [tilespmem:v29+s4+$0x0], $0xffff  }
0x13f: {  	[tilespmem:s30+$0x90] =	vst v0  }
0x140: {  	[tilespmem:s30+$0xA0] =	vst v1;
	p0 =	seq.s32 s25, $0x63  }
.Ltmp7:
0x141: {  	s0 =	sor.u32 s28, s8;
	[tilespmem:s30+$0xB0] =	vst v2;
	(pc) =	sbr.rel @p0 .LBB2_12-.Ltmp7, $4  }
0x142: {  	s0 =	sor.u32 s29, s0;
	[tilespmem:s30+$0xC0] =	vst v3  }
0x143: {  	s0 =	sshrl.u32 s0, $0x3;
	[tilespmem:s30+$0xD0] =	vst v4  }
0x144: {  	s0 =	sadd.s32 s2, s0;
	[tilespmem:s30+$0xE0] =	vst v5  }
0x145: {  	[hbm4b:s0+s13] =	stream.strided.scatter [tilespmem:s22], [sflag:$0x4], $0x1000, s14, s13, $0x38;
	[tilespmem:$0x1C700] =	vst v63  }
0x146: {  	s0 =	sadd.s32 $0x3, s26  }
0x147: {  	s26 =	sshll.u32 s0, $0x9  }
.Ltmp8:
0x148: {  	s28 =	sshll.u32 s0, $0xC;
	s0 =	sshll.u32 s0, $0x2;
	(pc) =	sbr.rel .LBB2_2-.Ltmp8, $4  }
0x149: {  	s26 =	sand.u32 $0x3C000, s26;
	s28 =	sand.u32 $0x3000, s28;
	s0 =	sand.u32 $0x70, s0  }
0x14a: {  	s26 =	sor.u32 s26, s28;
	s0 =	sadd.s32 s1, s0  }
0x14b: {  	s25 =	sadd.s32 $0x1, s25;
	s0 =	sadd.s32 s26, s0  }
0x14c: {  	[tilespmem:s17], [sflag:$0x2] =	stream.strided.gather [hbm4b:s0+s13], $0x1000, s14, s13, $0x38;
	[tilespmem:$0x1C700] =	vst v63  }
.LBB2_12:
0x14d: {  	s25 =	simm.s32 $0x0  }
0x14e: {  	[tilespmem:s25], [sflag:$0x5] =	stream.strided.gather [hbm4b:s9+s13], $0x18700, s14, s13, $0x38;
	[tilespmem:$0x1C700] =	vst v63  }
0x14f: {  	_ =	swait.ge [sflag:s15], $0x18700  }
0x150: {  	[sflag:s15] =	ssyncset.done $0x0  }
0x151: {  	[sflag:s15] =	ssyncadd.s32 $0xFFFE7900  }
0x152: {  	[tilespmem:s16], [sflag:$0x1] =	stream.strided.gather [hbm4b:s1+s13], $0x1000, s14, s13, $0x38;
	[tilespmem:$0x1C700] =	vst v63  }
0x153: {  	_ = 	snop  }
0x154: {  	[tilespmem:s17], [sflag:$0x2] =	stream.strided.gather [hbm4b:s7+s13], $0x1000, s14, s13, $0x38;
	[tilespmem:$0x1C700] =	vst v63  }
.LBB2_13:
0x155: {  	_ =	swait.ge [sflag:s18], $0x1000  }
0x156: {  	[sflag:s18] =	ssyncset.done $0x0  }
0x157: {  	[sflag:s18] =	ssyncadd.s32 $0xFFFFF000  }
0x158: {  	_ =	swait.ge [sflag:s23], $0x1000  }
0x159: {  	[sflag:s23] =	ssyncset.done $0x0  }
0x15a: {  	s0 =	simm.s32 $0x18800;
	[sflag:s23] =	ssyncadd.s32 $0xFFFFF000  }
0x15b: {  	v0 =	vld [tilespmem:s0+$0xF0]  }
0x15c: {  	v1 =	vld [tilespmem:s0+$0xFFFFFF10]  }
0x15d: {  	v2 =	vld [tilespmem:s0+$0xFFFFFF20]  }
0x15e: {  	v3 =	vld [tilespmem:s0+$0xFFFFFF30]  }
0x15f: {  	v4 =	vld [tilespmem:s0+$0xFFFFFF40]  }
0x160: {  	v5 =	vld [tilespmem:s0+$0xFFFFFF50]  }
0x161: {  	v6 =	vld [tilespmem:s0+$0xFFFFFF60]  }
0x162: {  	v7 =	vld [tilespmem:s0+$0xFFFFFF70]  }
0x163: {  	v8 =	vld [tilespmem:s0+$0xFFFFFF80]  }
0x164: {  	v9 =	vld [tilespmem:s0+$0xFFFFFF90]  }
0x165: {  	v10 =	vld [tilespmem:s0+$0xFFFFFFA0]  }
0x166: {  	v11 =	vld [tilespmem:s0+$0xFFFFFFB0]  }
0x167: {  	v12 =	vld [tilespmem:s0+$0xFFFFFFC0]  }
0x168: {  	v13 =	vld [tilespmem:s0+$0xFFFFFFD0]  }
0x169: {  	v14 =	vld [tilespmem:s0+$0xFFFFFFE0]  }
0x16a: {  	v15 =	vld [tilespmem:s0+$0xFFFFFFF0]  }
0x16b: {  	v16 =	vld [tilespmem:s0+$0x0]  }
0x16c: {  	v17 =	vld [tilespmem:s0+$0x10]  }
0x16d: {  	v18 =	vld [tilespmem:s0+$0x20]  }
0x16e: {  	v19 =	vld [tilespmem:s0+$0x30]  }
0x16f: {  	v20 =	vld [tilespmem:s0+$0x40]  }
0x170: {  	v21 =	vld [tilespmem:s0+$0x50]  }
0x171: {  	v22 =	vld [tilespmem:s0+$0x60]  }
0x172: {  	v23 =	vld [tilespmem:s0+$0x70]  }
0x173: {  	v24 =	vld [tilespmem:s0+$0x80]  }
0x174: {  	v25 =	vld [tilespmem:s0+$0x90]  }
0x175: {  	v26 =	vld [tilespmem:s0+$0xA0]  }
0x176: {  	v27 =	vld [tilespmem:s0+$0xB0]  }
0x177: {  	v28 =	vld [tilespmem:s0+$0xC0]  }
0x178: {  	v29 =	vld [tilespmem:s0+$0xD0]  }
0x179: {  	v30 =	vld [tilespmem:s0+$0xE0]  }
0x17a: {  	v31 =	vld [tilespmem:s0+$0xFFFFFF00]  }
0x17b: {  	v0 =	vld.idx.msk [tilespmem:v0+s4+$0x0], $0xffff  }
0x17c: {  	v1 =	vld.idx.msk [tilespmem:v1+s4+$0x0], $0xffff  }
0x17d: {  	v2 =	vld.idx.msk [tilespmem:v2+s4+$0x0], $0xffff  }
0x17e: {  	v3 =	vld.idx.msk [tilespmem:v3+s4+$0x0], $0xffff  }
0x17f: {  	v4 =	vld.idx.msk [tilespmem:v4+s4+$0x0], $0xffff  }
0x180: {  	s28 =	simm.s32 $0x1A800;
	v5 =	vld.idx.msk [tilespmem:v5+s4+$0x0], $0xffff  }
0x181: {  	v63 =	vld.idx.msk [tilespmem:v24+s4+$0x0], $0xffff;
	[tilespmem:s28+$0xF0] =	vst v0  }
0x182: {  	v0 =	vld.idx.msk [tilespmem:v6+s4+$0x0], $0xffff;
	[tilespmem:s28+$0xFFFFFF10] =	vst v1  }
0x183: {  	v1 =	vld.idx.msk [tilespmem:v7+s4+$0x0], $0xffff;
	[tilespmem:s28+$0xFFFFFF20] =	vst v2  }
0x184: {  	v6 =	vld.idx.msk [tilespmem:v31+s4+$0x0], $0xffff;
	[tilespmem:s28+$0xFFFFFF30] =	vst v3  }
0x185: {  	v2 =	vld.idx.msk [tilespmem:v8+s4+$0x0], $0xffff;
	[tilespmem:s28+$0xFFFFFF40] =	vst v4  }
0x186: {  	v3 =	vld.idx.msk [tilespmem:v9+s4+$0x0], $0xffff;
	[tilespmem:s28+$0xFFFFFF50] =	vst v5  }
0x187: {  	v4 =	vld.idx.msk [tilespmem:v10+s4+$0x0], $0xffff;
	[tilespmem:s28+$0x80] =	vst v63  }
0x188: {  	v5 =	vld.idx.msk [tilespmem:v13+s4+$0x0], $0xffff;
	[tilespmem:s28+$0xFFFFFF60] =	vst v0  }
0x189: {  	v7 =	vld.idx.msk [tilespmem:v23+s4+$0x0], $0xffff;
	[tilespmem:s28+$0xFFFFFF70] =	vst v1  }
0x18a: {  	v0 =	vld.idx.msk [tilespmem:v11+s4+$0x0], $0xffff;
	[tilespmem:s28+$0xFFFFFF00] =	vst v6  }
0x18b: {  	v1 =	vld.idx.msk [tilespmem:v12+s4+$0x0], $0xffff;
	[tilespmem:s28+$0xFFFFFF80] =	vst v2  }
0x18c: {  	v2 =	vld.idx.msk [tilespmem:v14+s4+$0x0], $0xffff;
	[tilespmem:s28+$0xFFFFFF90] =	vst v3  }
0x18d: {  	v3 =	vld.idx.msk [tilespmem:v15+s4+$0x0], $0xffff;
	[tilespmem:s28+$0xFFFFFFA0] =	vst v4  }
0x18e: {  	v4 =	vld.idx.msk [tilespmem:v16+s4+$0x0], $0xffff;
	[tilespmem:s28+$0xFFFFFFD0] =	vst v5  }
0x18f: {  	v5 =	vld.idx.msk [tilespmem:v19+s4+$0x0], $0xffff;
	[tilespmem:s28+$0x70] =	vst v7  }
0x190: {  	v6 =	vld.idx.msk [tilespmem:v22+s4+$0x0], $0xffff;
	[tilespmem:s28+$0xFFFFFFB0] =	vst v0  }
0x191: {  	v0 =	vld.idx.msk [tilespmem:v17+s4+$0x0], $0xffff;
	[tilespmem:s28+$0xFFFFFFC0] =	vst v1  }
0x192: {  	[tilespmem:s28+$0xFFFFFFE0] =	vst v2;
	v2 =	vld.idx.msk [tilespmem:v20+s4+$0x0], $0xffff  }
0x193: {  	v1 =	vld.idx.msk [tilespmem:v18+s4+$0x0], $0xffff;
	[tilespmem:s28+$0xFFFFFFF0] =	vst v3  }
0x194: {  	v3 =	vld.idx.msk [tilespmem:v21+s4+$0x0], $0xffff;
	[tilespmem:s28+$0x0] =	vst v4  }
0x195: {  	[tilespmem:s28+$0x30] =	vst v5;
	v5 =	vld.idx.msk [tilespmem:v25+s4+$0x0], $0xffff  }
0x196: {  	v4 =	vld.idx.msk [tilespmem:v26+s4+$0x0], $0xffff;
	[tilespmem:s28+$0x60] =	vst v6  }
0x197: {  	[tilespmem:s28+$0x40] =	vst v2;
	v2 =	vld.idx.msk [tilespmem:v27+s4+$0x0], $0xffff  }
0x198: {  	[tilespmem:s28+$0x10] =	vst v0;
	v0 =	vld.idx.msk [tilespmem:v28+s4+$0x0], $0xffff  }
0x199: {  	[tilespmem:s28+$0x20] =	vst v1;
	v1 =	vld.idx.msk [tilespmem:v29+s4+$0x0], $0xffff  }
0x19a: {  	s26 =	simm.s32 $0x0;
	s0 =	simm.s32 $0x18A00;
	[tilespmem:s28+$0x50] =	vst v3;
	v3 =	vld.idx.msk [tilespmem:v30+s4+$0x0], $0xffff  }
.LBB2_14:
0x19b: {  	v6 =	vld [tilespmem:s0+$0xF0];
	s26 =	sadd.s32 $0x20, s26;
	[tilespmem:s28+$0x90] =	vst v5  }
0x19c: {  	v5 =	vld [tilespmem:s0+$0xFFFFFF10];
	p0 =	slt.u32 s26, $0xE0;
	[tilespmem:s28+$0xA0] =	vst v4  }
0x19d: {  	v4 =	vld [tilespmem:s0+$0xFFFFFF20];
	[tilespmem:s28+$0xB0] =	vst v2  }
0x19e: {  	v2 =	vld [tilespmem:s0+$0xFFFFFF30];
	[tilespmem:s28+$0xC0] =	vst v0  }
0x19f: {  	v0 =	vld [tilespmem:s0+$0xFFFFFF40];
	[tilespmem:s28+$0xD0] =	vst v1  }
0x1a0: {  	v1 =	vld [tilespmem:s0+$0xFFFFFF50];
	[tilespmem:s28+$0xE0] =	vst v3  }
0x1a1: {  	v3 =	vld [tilespmem:s0+$0xFFFFFF60]  }
0x1a2: {  	v7 =	vld [tilespmem:s0+$0xFFFFFF70]  }
0x1a3: {  	v6 =	vld.idx.msk [tilespmem:v6+s4+$0x0], $0xffff  }
0x1a4: {  	v8 =	vld [tilespmem:s0+$0xFFFFFF80]  }
0x1a5: {  	v9 =	vld [tilespmem:s0+$0xFFFFFF90]  }
0x1a6: {  	v10 =	vld [tilespmem:s0+$0xFFFFFFA0]  }
0x1a7: {  	v11 =	vld [tilespmem:s0+$0xFFFFFFB0]  }
0x1a8: {  	s28 =	sadd.s32 $0x200, s28;
	v12 =	vld [tilespmem:s0+$0xFFFFFFC0]  }
0x1a9: {  	v13 =	vld [tilespmem:s0+$0xFFFFFFD0];
	[tilespmem:s28+$0xF0] =	vst v6  }
0x1aa: {  	v6 =	vld [tilespmem:s0+$0xFFFFFFE0]  }
0x1ab: {  	v14 =	vld [tilespmem:s0+$0xFFFFFFF0]  }
0x1ac: {  	v15 =	vld [tilespmem:s0+$0x0]  }
0x1ad: {  	v16 =	vld [tilespmem:s0+$0x10]  }
0x1ae: {  	v17 =	vld [tilespmem:s0+$0x20]  }
0x1af: {  	v18 =	vld [tilespmem:s0+$0x30]  }
0x1b0: {  	v19 =	vld [tilespmem:s0+$0x40]  }
0x1b1: {  	v20 =	vld [tilespmem:s0+$0x50]  }
0x1b2: {  	v21 =	vld [tilespmem:s0+$0x60]  }
0x1b3: {  	v22 =	vld [tilespmem:s0+$0x70]  }
0x1b4: {  	v23 =	vld [tilespmem:s0+$0x80]  }
0x1b5: {  	v24 =	vld [tilespmem:s0+$0x90]  }
0x1b6: {  	v25 =	vld [tilespmem:s0+$0xA0]  }
0x1b7: {  	v26 =	vld [tilespmem:s0+$0xB0]  }
0x1b8: {  	v27 =	vld [tilespmem:s0+$0xC0]  }
0x1b9: {  	v28 =	vld [tilespmem:s0+$0xD0]  }
0x1ba: {  	v29 =	vld [tilespmem:s0+$0xE0]  }
0x1bb: {  	v30 =	vld [tilespmem:s0+$0xFFFFFF00]  }
0x1bc: {  	v5 =	vld.idx.msk [tilespmem:v5+s4+$0x0], $0xffff  }
0x1bd: {  	v4 =	vld.idx.msk [tilespmem:v4+s4+$0x0], $0xffff  }
0x1be: {  	v2 =	vld.idx.msk [tilespmem:v2+s4+$0x0], $0xffff  }
0x1bf: {  	v0 =	vld.idx.msk [tilespmem:v0+s4+$0x0], $0xffff  }
0x1c0: {  	v1 =	vld.idx.msk [tilespmem:v1+s4+$0x0], $0xffff  }
0x1c1: {  	v3 =	vld.idx.msk [tilespmem:v3+s4+$0x0], $0xffff  }
0x1c2: {  	[tilespmem:s28+$0xFFFFFF10] =	vst v5;
	v5 =	vld.idx.msk [tilespmem:v7+s4+$0x0], $0xffff  }
0x1c3: {  	v7 =	vld.idx.msk [tilespmem:v30+s4+$0x0], $0xffff;
	[tilespmem:s28+$0xFFFFFF20] =	vst v4  }
0x1c4: {  	[tilespmem:s28+$0xFFFFFF30] =	vst v2;
	v2 =	vld.idx.msk [tilespmem:v8+s4+$0x0], $0xffff  }
0x1c5: {  	[tilespmem:s28+$0xFFFFFF40] =	vst v0;
	v0 =	vld.idx.msk [tilespmem:v9+s4+$0x0], $0xffff  }
0x1c6: {  	[tilespmem:s28+$0xFFFFFF50] =	vst v1;
	v1 =	vld.idx.msk [tilespmem:v10+s4+$0x0], $0xffff  }
0x1c7: {  	[tilespmem:s28+$0xFFFFFF60] =	vst v3;
	v3 =	vld.idx.msk [tilespmem:v11+s4+$0x0], $0xffff  }
0x1c8: {  	[tilespmem:s28+$0xFFFFFF70] =	vst v5;
	v4 =	vld.idx.msk [tilespmem:v12+s4+$0x0], $0xffff  }
0x1c9: {  	[tilespmem:s28+$0xFFFFFF00] =	vst v7;
	v5 =	vld.idx.msk [tilespmem:v13+s4+$0x0], $0xffff  }
0x1ca: {  	[tilespmem:s28+$0xFFFFFF80] =	vst v2;
	v2 =	vld.idx.msk [tilespmem:v6+s4+$0x0], $0xffff  }
0x1cb: {  	[tilespmem:s28+$0xFFFFFF90] =	vst v0;
	v0 =	vld.idx.msk [tilespmem:v14+s4+$0x0], $0xffff  }
0x1cc: {  	[tilespmem:s28+$0xFFFFFFA0] =	vst v1;
	v1 =	vld.idx.msk [tilespmem:v15+s4+$0x0], $0xffff  }
0x1cd: {  	[tilespmem:s28+$0xFFFFFFB0] =	vst v3;
	v3 =	vld.idx.msk [tilespmem:v16+s4+$0x0], $0xffff  }
0x1ce: {  	[tilespmem:s28+$0xFFFFFFC0] =	vst v4;
	v4 =	vld.idx.msk [tilespmem:v17+s4+$0x0], $0xffff  }
0x1cf: {  	[tilespmem:s28+$0xFFFFFFD0] =	vst v5;
	v5 =	vld.idx.msk [tilespmem:v18+s4+$0x0], $0xffff  }
0x1d0: {  	[tilespmem:s28+$0xFFFFFFE0] =	vst v2;
	v2 =	vld.idx.msk [tilespmem:v19+s4+$0x0], $0xffff  }
0x1d1: {  	[tilespmem:s28+$0xFFFFFFF0] =	vst v0;
	v0 =	vld.idx.msk [tilespmem:v20+s4+$0x0], $0xffff  }
0x1d2: {  	[tilespmem:s28+$0x0] =	vst v1;
	v1 =	vld.idx.msk [tilespmem:v21+s4+$0x0], $0xffff  }
0x1d3: {  	[tilespmem:s28+$0x10] =	vst v3;
	v3 =	vld.idx.msk [tilespmem:v22+s4+$0x0], $0xffff  }
0x1d4: {  	[tilespmem:s28+$0x20] =	vst v4;
	v6 =	vld.idx.msk [tilespmem:v23+s4+$0x0], $0xffff  }
0x1d5: {  	[tilespmem:s28+$0x30] =	vst v5;
	v5 =	vld.idx.msk [tilespmem:v24+s4+$0x0], $0xffff  }
.Ltmp9:
0x1d6: {  	[tilespmem:s28+$0x40] =	vst v2;
	v4 =	vld.idx.msk [tilespmem:v25+s4+$0x0], $0xffff;
	(pc) =	sbr.rel @p0 .LBB2_14-.Ltmp9, $4  }
0x1d7: {  	[tilespmem:s28+$0x50] =	vst v0;
	v2 =	vld.idx.msk [tilespmem:v26+s4+$0x0], $0xffff  }
0x1d8: {  	[tilespmem:s28+$0x60] =	vst v1;
	v0 =	vld.idx.msk [tilespmem:v27+s4+$0x0], $0xffff  }
0x1d9: {  	[tilespmem:s28+$0x70] =	vst v3;
	v1 =	vld.idx.msk [tilespmem:v28+s4+$0x0], $0xffff  }
0x1da: {  	s0 =	sadd.s32 $0x200, s0;
	[tilespmem:s28+$0x80] =	vst v6;
	v3 =	vld.idx.msk [tilespmem:v29+s4+$0x0], $0xffff  }
0x1db: {  	[tilespmem:s28+$0x90] =	vst v5;
	s0 =	sshll.u32 s25, $0x10  }
0x1dc: {  	[tilespmem:s28+$0xA0] =	vst v4;
	s3 =	sshll.u32 s25, $0x13;
	s26 =	sand.u32 $0x10000, s0  }
0x1dd: {  	[tilespmem:s28+$0xB0] =	vst v2;
	s29 =	sand.u32 $0x3F00000, s3;
	s3 =	sor.u32 s26, s10  }
0x1de: {  	[tilespmem:s28+$0xC0] =	vst v0;
	s0 =	sor.u32 s29, s3  }
0x1df: {  	[tilespmem:s28+$0xD0] =	vst v1;
	s0 =	sshrl.u32 s0, $0x3  }
0x1e0: {  	p0 =	seq.s32 s25, $0x63;
	[tilespmem:s28+$0xE0] =	vst v3;
	s28 =	sshll.u32 s25, $0x1;
	s0 =	sadd.s32 s2, s0  }
0x1e1: {  	[hbm4b:s0+s13] =	stream.strided.scatter [tilespmem:s19], [sflag:$0x3], $0x1000, s14, s13, $0x38;
	[tilespmem:$0x1C700] =	vst v63  }
0x1e2: {  	s0 =	sadd.s32 @!p0 $0x2, s28  }
0x1e3: {  	s30 =	sshll.u32 @!p0 s0, $0x9;
	s31 =	sshll.u32 @!p0 s0, $0xC;
	s0 =	sshll.u32 @!p0 s0, $0x2  }
0x1e4: {  	s30 =	sand.u32 @!p0 $0x3C000, s30;
	s31 =	sand.u32 @!p0 $0x2000, s31;
	s0 =	sand.u32 @!p0 $0x70, s0  }
0x1e5: {  	s3 =	simm.s32 @!p0 $0x18700;
	s30 =	sor.u32 @!p0 s30, s31;
	s0 =	sadd.s32 @!p0 s1, s0  }
0x1e6: {  	s31 =	simm.s32 @!p0 $0x400;
	s0 =	sadd.s32 @!p0 s30, s0;
	s30 =	simm.s32 @!p0 $0x80  }
0x1e7: {  	[tilespmem:s3], [sflag:$0x1] =	stream.strided.gather @!p0 [hbm4b:s0+s30], $0x1000, s31, s30, $0x38;
	[tilespmem:$0x1C700] =	vst v63  }
0x1e8: {  	_ =	swait.ge [sflag:s20], $0x1000  }
0x1e9: {  	[sflag:s20] =	ssyncset.done $0x0  }
0x1ea: {  	[sflag:s20] =	ssyncadd.s32 $0xFFFFF000  }
0x1eb: {  	_ =	swait.ge [sflag:s21], $0x1000  }
0x1ec: {  	[sflag:s21] =	ssyncset.done $0x0  }
0x1ed: {  	s3 =	simm.s32 $0x19800;
	[sflag:s21] =	ssyncadd.s32 $0xFFFFF000  }
0x1ee: {  	v0 =	vld [tilespmem:s3+$0xF0]  }
0x1ef: {  	v1 =	vld [tilespmem:s3+$0xFFFFFF10]  }
0x1f0: {  	v2 =	vld [tilespmem:s3+$0xFFFFFF20]  }
0x1f1: {  	v3 =	vld [tilespmem:s3+$0xFFFFFF30]  }
0x1f2: {  	v4 =	vld [tilespmem:s3+$0xFFFFFF40]  }
0x1f3: {  	v5 =	vld [tilespmem:s3+$0xFFFFFF50]  }
0x1f4: {  	v6 =	vld [tilespmem:s3+$0xFFFFFF60]  }
0x1f5: {  	v7 =	vld [tilespmem:s3+$0xFFFFFF70]  }
0x1f6: {  	v8 =	vld [tilespmem:s3+$0xFFFFFF80]  }
0x1f7: {  	v9 =	vld [tilespmem:s3+$0xFFFFFF90]  }
0x1f8: {  	v10 =	vld [tilespmem:s3+$0xFFFFFFA0]  }
0x1f9: {  	v11 =	vld [tilespmem:s3+$0xFFFFFFB0]  }
0x1fa: {  	v12 =	vld [tilespmem:s3+$0xFFFFFFC0]  }
0x1fb: {  	v13 =	vld [tilespmem:s3+$0xFFFFFFD0]  }
0x1fc: {  	v14 =	vld [tilespmem:s3+$0xFFFFFFE0]  }
0x1fd: {  	v15 =	vld [tilespmem:s3+$0xFFFFFFF0]  }
0x1fe: {  	v16 =	vld [tilespmem:s3+$0x0]  }
0x1ff: {  	v17 =	vld [tilespmem:s3+$0x10]  }
0x200: {  	v18 =	vld [tilespmem:s3+$0x20]  }
0x201: {  	v19 =	vld [tilespmem:s3+$0x30]  }
0x202: {  	v20 =	vld [tilespmem:s3+$0x40]  }
0x203: {  	v21 =	vld [tilespmem:s3+$0x50]  }
0x204: {  	v22 =	vld [tilespmem:s3+$0x60]  }
0x205: {  	v23 =	vld [tilespmem:s3+$0x70]  }
0x206: {  	v24 =	vld [tilespmem:s3+$0x80]  }
0x207: {  	v25 =	vld [tilespmem:s3+$0x90]  }
0x208: {  	v26 =	vld [tilespmem:s3+$0xA0]  }
0x209: {  	v27 =	vld [tilespmem:s3+$0xB0]  }
0x20a: {  	v28 =	vld [tilespmem:s3+$0xC0]  }
0x20b: {  	v29 =	vld [tilespmem:s3+$0xD0]  }
0x20c: {  	v30 =	vld [tilespmem:s3+$0xE0]  }
0x20d: {  	v31 =	vld [tilespmem:s3+$0xFFFFFF00]  }
0x20e: {  	v0 =	vld.idx.msk [tilespmem:v0+s4+$0x0], $0xffff  }
0x20f: {  	v1 =	vld.idx.msk [tilespmem:v1+s4+$0x0], $0xffff  }
0x210: {  	v2 =	vld.idx.msk [tilespmem:v2+s4+$0x0], $0xffff  }
0x211: {  	v3 =	vld.idx.msk [tilespmem:v3+s4+$0x0], $0xffff  }
0x212: {  	v4 =	vld.idx.msk [tilespmem:v4+s4+$0x0], $0xffff  }
0x213: {  	s30 =	simm.s32 $0x1B800;
	v5 =	vld.idx.msk [tilespmem:v5+s4+$0x0], $0xffff  }
0x214: {  	[tilespmem:s30+$0xF0] =	vst v0;
	v0 =	vld.idx.msk [tilespmem:v6+s4+$0x0], $0xffff  }
0x215: {  	[tilespmem:s30+$0xFFFFFF10] =	vst v1;
	v1 =	vld.idx.msk [tilespmem:v7+s4+$0x0], $0xffff  }
0x216: {  	v6 =	vld.idx.msk [tilespmem:v31+s4+$0x0], $0xffff;
	[tilespmem:s30+$0xFFFFFF20] =	vst v2  }
0x217: {  	[tilespmem:s30+$0xFFFFFF30] =	vst v3;
	v2 =	vld.idx.msk [tilespmem:v8+s4+$0x0], $0xffff  }
0x218: {  	[tilespmem:s30+$0xFFFFFF40] =	vst v4;
	v3 =	vld.idx.msk [tilespmem:v9+s4+$0x0], $0xffff  }
0x219: {  	[tilespmem:s30+$0xFFFFFF50] =	vst v5;
	v4 =	vld.idx.msk [tilespmem:v10+s4+$0x0], $0xffff  }
0x21a: {  	v5 =	vld.idx.msk [tilespmem:v13+s4+$0x0], $0xffff;
	[tilespmem:s30+$0xFFFFFF60] =	vst v0  }
0x21b: {  	v7 =	vld.idx.msk [tilespmem:v24+s4+$0x0], $0xffff;
	[tilespmem:s30+$0xFFFFFF70] =	vst v1  }
0x21c: {  	v0 =	vld.idx.msk [tilespmem:v11+s4+$0x0], $0xffff;
	[tilespmem:s30+$0xFFFFFF00] =	vst v6  }
0x21d: {  	v1 =	vld.idx.msk [tilespmem:v12+s4+$0x0], $0xffff;
	[tilespmem:s30+$0xFFFFFF80] =	vst v2  }
0x21e: {  	v2 =	vld.idx.msk [tilespmem:v14+s4+$0x0], $0xffff;
	[tilespmem:s30+$0xFFFFFF90] =	vst v3  }
0x21f: {  	v3 =	vld.idx.msk [tilespmem:v15+s4+$0x0], $0xffff;
	[tilespmem:s30+$0xFFFFFFA0] =	vst v4  }
0x220: {  	v4 =	vld.idx.msk [tilespmem:v16+s4+$0x0], $0xffff;
	[tilespmem:s30+$0xFFFFFFD0] =	vst v5  }
0x221: {  	v5 =	vld.idx.msk [tilespmem:v19+s4+$0x0], $0xffff;
	[tilespmem:s30+$0x80] =	vst v7  }
0x222: {  	v6 =	vld.idx.msk [tilespmem:v23+s4+$0x0], $0xffff;
	[tilespmem:s30+$0xFFFFFFB0] =	vst v0  }
0x223: {  	v0 =	vld.idx.msk [tilespmem:v17+s4+$0x0], $0xffff;
	[tilespmem:s30+$0xFFFFFFC0] =	vst v1  }
0x224: {  	v1 =	vld.idx.msk [tilespmem:v18+s4+$0x0], $0xffff;
	[tilespmem:s30+$0xFFFFFFE0] =	vst v2  }
0x225: {  	v2 =	vld.idx.msk [tilespmem:v20+s4+$0x0], $0xffff;
	[tilespmem:s30+$0xFFFFFFF0] =	vst v3  }
0x226: {  	v3 =	vld.idx.msk [tilespmem:v21+s4+$0x0], $0xffff;
	[tilespmem:s30+$0x0] =	vst v4  }
0x227: {  	v4 =	vld.idx.msk [tilespmem:v22+s4+$0x0], $0xffff;
	[tilespmem:s30+$0x30] =	vst v5  }
0x228: {  	[tilespmem:s30+$0x70] =	vst v6;
	v5 =	vld.idx.msk [tilespmem:v30+s4+$0x0], $0xffff  }
0x229: {  	[tilespmem:s30+$0x10] =	vst v0;
	v0 =	vld.idx.msk [tilespmem:v25+s4+$0x0], $0xffff  }
0x22a: {  	[tilespmem:s30+$0x20] =	vst v1;
	v1 =	vld.idx.msk [tilespmem:v26+s4+$0x0], $0xffff  }
0x22b: {  	[tilespmem:s30+$0x40] =	vst v2;
	v2 =	vld.idx.msk [tilespmem:v27+s4+$0x0], $0xffff  }
0x22c: {  	[tilespmem:s30+$0x50] =	vst v3;
	v3 =	vld.idx.msk [tilespmem:v28+s4+$0x0], $0xffff  }
0x22d: {  	s31 =	simm.s32 $0x0;
	s0 =	simm.s32 $0x19A00;
	[tilespmem:s30+$0x60] =	vst v4;
	v4 =	vld.idx.msk [tilespmem:v29+s4+$0x0], $0xffff  }
.LBB2_16:
0x22e: {  	v6 =	vld [tilespmem:s0+$0xF0];
	s31 =	sadd.s32 $0x20, s31;
	[tilespmem:s30+$0x90] =	vst v0  }
0x22f: {  	v0 =	vld [tilespmem:s0+$0xFFFFFF10];
	p1 =	slt.u32 s31, $0xE0;
	[tilespmem:s30+$0xA0] =	vst v1  }
0x230: {  	v1 =	vld [tilespmem:s0+$0xFFFFFF20];
	[tilespmem:s30+$0xB0] =	vst v2  }
0x231: {  	v2 =	vld [tilespmem:s0+$0xFFFFFF30];
	[tilespmem:s30+$0xC0] =	vst v3  }
0x232: {  	v3 =	vld [tilespmem:s0+$0xFFFFFF40];
	[tilespmem:s30+$0xD0] =	vst v4  }
0x233: {  	v4 =	vld [tilespmem:s0+$0xFFFFFF50];
	[tilespmem:s30+$0xE0] =	vst v5  }
0x234: {  	v5 =	vld [tilespmem:s0+$0xFFFFFF60]  }
0x235: {  	v7 =	vld [tilespmem:s0+$0xFFFFFF70]  }
0x236: {  	v6 =	vld.idx.msk [tilespmem:v6+s4+$0x0], $0xffff  }
0x237: {  	v8 =	vld [tilespmem:s0+$0xFFFFFF80]  }
0x238: {  	v9 =	vld [tilespmem:s0+$0xFFFFFF90]  }
0x239: {  	v10 =	vld [tilespmem:s0+$0xFFFFFFA0]  }
0x23a: {  	v11 =	vld [tilespmem:s0+$0xFFFFFFB0]  }
0x23b: {  	s30 =	sadd.s32 $0x200, s30;
	v12 =	vld [tilespmem:s0+$0xFFFFFFC0]  }
0x23c: {  	v13 =	vld [tilespmem:s0+$0xFFFFFFD0];
	[tilespmem:s30+$0xF0] =	vst v6  }
0x23d: {  	v6 =	vld [tilespmem:s0+$0xFFFFFFE0]  }
0x23e: {  	v14 =	vld [tilespmem:s0+$0xFFFFFFF0]  }
0x23f: {  	v15 =	vld [tilespmem:s0+$0x0]  }
0x240: {  	v16 =	vld [tilespmem:s0+$0x10]  }
0x241: {  	v17 =	vld [tilespmem:s0+$0x20]  }
0x242: {  	v18 =	vld [tilespmem:s0+$0x30]  }
0x243: {  	v19 =	vld [tilespmem:s0+$0x40]  }
0x244: {  	v20 =	vld [tilespmem:s0+$0x50]  }
0x245: {  	v21 =	vld [tilespmem:s0+$0x60]  }
0x246: {  	v22 =	vld [tilespmem:s0+$0x70]  }
0x247: {  	v23 =	vld [tilespmem:s0+$0x80]  }
0x248: {  	v24 =	vld [tilespmem:s0+$0x90]  }
0x249: {  	v25 =	vld [tilespmem:s0+$0xA0]  }
0x24a: {  	v26 =	vld [tilespmem:s0+$0xB0]  }
0x24b: {  	v27 =	vld [tilespmem:s0+$0xC0]  }
0x24c: {  	v28 =	vld [tilespmem:s0+$0xD0]  }
0x24d: {  	v29 =	vld [tilespmem:s0+$0xE0]  }
0x24e: {  	v30 =	vld [tilespmem:s0+$0xFFFFFF00]  }
0x24f: {  	v0 =	vld.idx.msk [tilespmem:v0+s4+$0x0], $0xffff  }
0x250: {  	v1 =	vld.idx.msk [tilespmem:v1+s4+$0x0], $0xffff  }
0x251: {  	v2 =	vld.idx.msk [tilespmem:v2+s4+$0x0], $0xffff  }
0x252: {  	v3 =	vld.idx.msk [tilespmem:v3+s4+$0x0], $0xffff  }
0x253: {  	v4 =	vld.idx.msk [tilespmem:v4+s4+$0x0], $0xffff  }
0x254: {  	v5 =	vld.idx.msk [tilespmem:v5+s4+$0x0], $0xffff  }
0x255: {  	[tilespmem:s30+$0xFFFFFF10] =	vst v0;
	v0 =	vld.idx.msk [tilespmem:v7+s4+$0x0], $0xffff  }
0x256: {  	v7 =	vld.idx.msk [tilespmem:v30+s4+$0x0], $0xffff;
	[tilespmem:s30+$0xFFFFFF20] =	vst v1  }
0x257: {  	[tilespmem:s30+$0xFFFFFF30] =	vst v2;
	v1 =	vld.idx.msk [tilespmem:v8+s4+$0x0], $0xffff  }
0x258: {  	[tilespmem:s30+$0xFFFFFF40] =	vst v3;
	v2 =	vld.idx.msk [tilespmem:v9+s4+$0x0], $0xffff  }
0x259: {  	[tilespmem:s30+$0xFFFFFF50] =	vst v4;
	v3 =	vld.idx.msk [tilespmem:v10+s4+$0x0], $0xffff  }
0x25a: {  	[tilespmem:s30+$0xFFFFFF60] =	vst v5;
	v4 =	vld.idx.msk [tilespmem:v11+s4+$0x0], $0xffff  }
0x25b: {  	[tilespmem:s30+$0xFFFFFF70] =	vst v0;
	v0 =	vld.idx.msk [tilespmem:v12+s4+$0x0], $0xffff  }
0x25c: {  	[tilespmem:s30+$0xFFFFFF00] =	vst v7;
	v5 =	vld.idx.msk [tilespmem:v13+s4+$0x0], $0xffff  }
0x25d: {  	[tilespmem:s30+$0xFFFFFF80] =	vst v1;
	v1 =	vld.idx.msk [tilespmem:v6+s4+$0x0], $0xffff  }
0x25e: {  	[tilespmem:s30+$0xFFFFFF90] =	vst v2;
	v2 =	vld.idx.msk [tilespmem:v14+s4+$0x0], $0xffff  }
0x25f: {  	[tilespmem:s30+$0xFFFFFFA0] =	vst v3;
	v3 =	vld.idx.msk [tilespmem:v15+s4+$0x0], $0xffff  }
0x260: {  	[tilespmem:s30+$0xFFFFFFB0] =	vst v4;
	v4 =	vld.idx.msk [tilespmem:v16+s4+$0x0], $0xffff  }
0x261: {  	[tilespmem:s30+$0xFFFFFFC0] =	vst v0;
	v0 =	vld.idx.msk [tilespmem:v17+s4+$0x0], $0xffff  }
0x262: {  	[tilespmem:s30+$0xFFFFFFD0] =	vst v5;
	v5 =	vld.idx.msk [tilespmem:v18+s4+$0x0], $0xffff  }
0x263: {  	[tilespmem:s30+$0xFFFFFFE0] =	vst v1;
	v1 =	vld.idx.msk [tilespmem:v19+s4+$0x0], $0xffff  }
0x264: {  	[tilespmem:s30+$0xFFFFFFF0] =	vst v2;
	v2 =	vld.idx.msk [tilespmem:v20+s4+$0x0], $0xffff  }
0x265: {  	[tilespmem:s30+$0x0] =	vst v3;
	v3 =	vld.idx.msk [tilespmem:v21+s4+$0x0], $0xffff  }
0x266: {  	[tilespmem:s30+$0x10] =	vst v4;
	v4 =	vld.idx.msk [tilespmem:v22+s4+$0x0], $0xffff  }
0x267: {  	[tilespmem:s30+$0x20] =	vst v0;
	v6 =	vld.idx.msk [tilespmem:v23+s4+$0x0], $0xffff  }
0x268: {  	[tilespmem:s30+$0x30] =	vst v5;
	v0 =	vld.idx.msk [tilespmem:v24+s4+$0x0], $0xffff  }
.Ltmp10:
0x269: {  	[tilespmem:s30+$0x40] =	vst v1;
	v1 =	vld.idx.msk [tilespmem:v25+s4+$0x0], $0xffff;
	(pc) =	sbr.rel @p1 .LBB2_16-.Ltmp10, $4  }
0x26a: {  	[tilespmem:s30+$0x50] =	vst v2;
	v2 =	vld.idx.msk [tilespmem:v26+s4+$0x0], $0xffff  }
0x26b: {  	[tilespmem:s30+$0x60] =	vst v3;
	v3 =	vld.idx.msk [tilespmem:v27+s4+$0x0], $0xffff  }
0x26c: {  	[tilespmem:s30+$0x70] =	vst v4;
	v4 =	vld.idx.msk [tilespmem:v28+s4+$0x0], $0xffff  }
0x26d: {  	s0 =	sadd.s32 $0x200, s0;
	[tilespmem:s30+$0x80] =	vst v6;
	v5 =	vld.idx.msk [tilespmem:v29+s4+$0x0], $0xffff  }
0x26e: {  	[tilespmem:s30+$0x90] =	vst v0  }
0x26f: {  	[tilespmem:s30+$0xA0] =	vst v1  }
.Ltmp11:
0x270: {  	s0 =	sor.u32 s26, s11;
	[tilespmem:s30+$0xB0] =	vst v2;
	(pc) =	sbr.rel @p0 .LBB2_19-.Ltmp11, $4  }
0x271: {  	s0 =	sor.u32 s29, s0;
	[tilespmem:s30+$0xC0] =	vst v3  }
0x272: {  	s0 =	sshrl.u32 s0, $0x3;
	[tilespmem:s30+$0xD0] =	vst v4  }
0x273: {  	s0 =	sadd.s32 s2, s0;
	[tilespmem:s30+$0xE0] =	vst v5  }
0x274: {  	[hbm4b:s0+s13] =	stream.strided.scatter [tilespmem:s22], [sflag:$0x4], $0x1000, s14, s13, $0x38;
	[tilespmem:$0x1C700] =	vst v63  }
0x275: {  	s0 =	sadd.s32 $0x3, s28  }
0x276: {  	s3 =	sshll.u32 s0, $0x9  }
.Ltmp12:
0x277: {  	s26 =	sshll.u32 s0, $0xC;
	s0 =	sshll.u32 s0, $0x2;
	(pc) =	sbr.rel .LBB2_13-.Ltmp12, $4  }
0x278: {  	s3 =	sand.u32 $0x3C000, s3;
	s26 =	sand.u32 $0x3000, s26;
	s0 =	sand.u32 $0x70, s0  }
0x279: {  	s3 =	sor.u32 s3, s26;
	s0 =	sadd.s32 s1, s0  }
0x27a: {  	s25 =	sadd.s32 $0x1, s25;
	s0 =	sadd.s32 s3, s0  }
0x27b: {  	[tilespmem:s17], [sflag:$0x2] =	stream.strided.gather [hbm4b:s0+s13], $0x1000, s14, s13, $0x38;
	[tilespmem:$0x1C700] =	vst v63  }
.LBB2_20:
0x27c: {  	_ =	sfence.sel $0x180000  }
0x27d: {  	[bflag:$0x0] =	sbarrier.arrive $0xFFFF  }
0x27e: {  	_ =	strace $0x90000047  }
0x27f: {  	s0 =	stileid.u32;
	[bflag:$0x2] =	sbarrier.arrive $0xFFFF  }
0x280: {  	p0 =	sne.s32 s0, $0x0;
	s0 =	rddreg [dreg:$0x3]  }
0x281: {  	s0 =	sadd.s32 @!p0 $0x100000, s0  }
0x282: {  	[sflag:s0] =	ssyncadd.tile.s32 @!p0 $0x1;
	_ =	shalt  }
.Lfunc_end2:
_tile_overlayer_lowered:
.L_overlay_start_2:
0x283: {  	(tag) =	ssettag $0x2  }
0x284: {  	s0 =	rddreg [dreg:$0x0];
	s2 =	stileid.u32  }
0x285: {  	s1 =	rddreg [dreg:$0x1];
	p0 =	sne.s32 s2, $0x0  }
0x286: {  	s3 =	rddreg [dreg:$0x2];
	[bflag:$0x3] =	sbarrier.arrive $0xFFFF;
	s2 =	simm.s32 @!p0 $0x1C05  }
0x287: {  	[timem:s3], [sflag:s2] =	dma.local @!p0 [hbm:s0], s1  }
0x288: {  	s0 =	simm.s32 @!p0 $0x5  }
0x289: {  	_ =	swait.ge @!p0 [sflag:s0], s1  }
0x28a: {  	s1 =	ssub.s32 @!p0 $0x0, s1;
	[sflag:s0] =	ssyncset.done @!p0 $0x0  }
0x28b: {  	[sflag:s0] =	ssyncadd.s32 @!p0 s1  }
0x28c: {  	[bflag:$0x3] =	sbarrier.arrive $0xFFFF  }
0x28d: {  	_ =	shalt  }

</sc_bundles>
